<compile_context>
chip_gen: v7x
topology: tpu7x:2x2x1
jax: 0.10.2.dev20260603
libtpu: 0.0.44.dev20260713+nightly
codegen_flags: <defaults>
</compile_context>

<pallas_src>
import functools

import jax
import jax.numpy as jnp
from jax import lax
from jax.experimental import pallas as pl
from jax.experimental.pallas import tpu as pltpu
from jax.experimental.pallas import tpu_sc as plsc

N = 10000
E = 320000
IN_DIM = 128
H1 = 128
H2 = 64

NC = 2
NS = 16
NW = NC * NS
CHUNK = 128
CPW = 80
NCHUNKS = NW * CPW
EPAD = NCHUNKS * CHUNK
NPAD = 10240
RPS = NPAD // NS

_MESH = dict(core_axis_name="c", subcore_axis_name="s")


@functools.partial(
    pl.kernel,
    out_type=jax.ShapeDtypeStruct((NC, NPAD, 16), jnp.float32),
    mesh=plsc.VectorSubcoreMesh(**_MESH),
    compiler_params=pltpu.CompilerParams(use_tc_tiling_on_sc=False),
    scratch_types=[
        pltpu.VMEM((CPW, CHUNK), jnp.int32),
        pltpu.VMEM((CHUNK, 16), jnp.float32),
        pltpu.VMEM_SHARED((NPAD, 16), jnp.float32),
    ],
)
def _deg_kernel(dst_hbm, out_hbm, idx_v, buf_v, acc_sh):
    cid = lax.axis_index("c")
    sid = lax.axis_index("s")
    wid = sid * NC + cid

    def zrow(r, _):
        buf_v[r, :] = jnp.zeros((16,), jnp.float32)
        return 0

    lax.fori_loop(0, CHUNK, zrow, 0)
    for t in range(RPS // CHUNK):
        pltpu.sync_copy(buf_v, acc_sh.at[pl.ds(sid * RPS + t * CHUNK, CHUNK)])

    def orow(r, _):
        buf_v[r, :] = jnp.ones((16,), jnp.float32)
        return 0

    lax.fori_loop(0, CHUNK, orow, 0)
    pltpu.sync_copy(dst_hbm.at[pl.ds(wid * CPW, CPW)], idx_v)
    plsc.subcore_barrier()

    def step(j, _):
        pltpu.sync_copy(buf_v, acc_sh.at[idx_v.at[j]], add=True)
        return 0

    lax.fori_loop(0, CPW, step, 0)
    plsc.subcore_barrier()
    pltpu.sync_copy(acc_sh.at[pl.ds(sid * RPS, RPS)],
                    out_hbm.at[cid, pl.ds(sid * RPS, RPS)])


HCPW = CPW // 2


def _make_agg(D):
    @functools.partial(
        pl.kernel,
        out_type=jax.ShapeDtypeStruct((NC, NPAD, D), jnp.bfloat16),
        mesh=plsc.VectorSubcoreMesh(**_MESH),
        compiler_params=pltpu.CompilerParams(use_tc_tiling_on_sc=False),
        scratch_types=[
            pltpu.VMEM((HCPW, CHUNK), jnp.int32),
            pltpu.VMEM((HCPW, CHUNK), jnp.int32),
            pltpu.VMEM((CHUNK, D), jnp.bfloat16),
            pltpu.VMEM((CHUNK, D), jnp.bfloat16),
            pltpu.SemaphoreType.DMA,
            pltpu.SemaphoreType.DMA,
            pltpu.VMEM_SHARED((NPAD, D), jnp.bfloat16),
        ],
    )
    def _agg(y_hbm, src_hbm, dst_hbm, out_hbm,
             src_v, dst_v, rows_a, rows_b, sem_a, sem_b, acc_sh):
        cid = lax.axis_index("c")
        sid = lax.axis_index("s")
        wid = sid * NC + cid

        def zrow(r, _):
            for k in range(D // 32):
                rows_a[r, pl.ds(k * 32, 32)] = jnp.zeros((32,), jnp.bfloat16)
            return 0

        lax.fori_loop(0, CHUNK, zrow, 0)
        for t in range(RPS // CHUNK):
            pltpu.sync_copy(rows_a, acc_sh.at[pl.ds(sid * RPS + t * CHUNK, CHUNK)])
        plsc.subcore_barrier()

        for p in range(CPW // HCPW):
            base = wid * CPW + p * HCPW
            pltpu.sync_copy(src_hbm.at[pl.ds(base, HCPW)], src_v)
            pltpu.sync_copy(dst_hbm.at[pl.ds(base, HCPW)], dst_v)
            pltpu.make_async_copy(y_hbm.at[src_v.at[0]], rows_a, sem_a).start()

            def body(g, _):
                ja = 2 * g
                jb = 2 * g + 1
                pltpu.make_async_copy(y_hbm.at[src_v.at[jb]], rows_b, sem_b).start()
                pltpu.make_async_copy(y_hbm.at[src_v.at[ja]], rows_a, sem_a).wait()
                pltpu.sync_copy(rows_a, acc_sh.at[dst_v.at[ja]], add=True)

                @pl.when(g < HCPW // 2 - 1)
                def _():
                    pltpu.make_async_copy(
                        y_hbm.at[src_v.at[ja + 2]], rows_a, sem_a).start()

                pltpu.make_async_copy(y_hbm.at[src_v.at[jb]], rows_b, sem_b).wait()
                pltpu.sync_copy(rows_b, acc_sh.at[dst_v.at[jb]], add=True)
                return 0

            lax.fori_loop(0, HCPW // 2, body, 0)
        plsc.subcore_barrier()
        pltpu.sync_copy(acc_sh.at[pl.ds(sid * RPS, RPS)],
                        out_hbm.at[cid, pl.ds(sid * RPS, RPS)])

    return _agg


_agg128 = _make_agg(H1)
_agg64 = _make_agg(H2)


_BM = 1280


def _dinv_of(degp_ref):
    deg = degp_ref[0, :, 0:1] + degp_ref[1, :, 0:1] + 1.0
    return lax.rsqrt(deg)


def _tc_mm_body(x_ref, w_ref, xw_ref):
    xw_ref[...] = jnp.dot(x_ref[...], w_ref[...],
                          preferred_element_type=jnp.float32)


def _tc_mm(x_p, w1):
    return pl.pallas_call(
        _tc_mm_body,
        grid=(NPAD // _BM,),
        in_specs=[
            pl.BlockSpec((_BM, IN_DIM), lambda i: (i, 0)),
            pl.BlockSpec((IN_DIM, H1), lambda i: (0, 0)),
        ],
        out_specs=pl.BlockSpec((_BM, H1), lambda i: (i, 0)),
        out_shape=jax.ShapeDtypeStruct((NPAD, H1), jnp.float32),
    )(x_p, w1)


def _tc_a_body(xw_ref, degp_ref, y_ref, yb_ref):
    dinv = _dinv_of(degp_ref)
    y = xw_ref[...] * dinv
    y_ref[...] = y
    yb_ref[...] = y.astype(jnp.bfloat16)


def _tc_a(xw, degp):
    return pl.pallas_call(
        _tc_a_body,
        grid=(NPAD // _BM,),
        in_specs=[
            pl.BlockSpec((_BM, H1), lambda i: (i, 0)),
            pl.BlockSpec((NC, _BM, 16), lambda i: (0, i, 0)),
        ],
        out_specs=[
            pl.BlockSpec((_BM, H1), lambda i: (i, 0)),
            pl.BlockSpec((_BM, H1), lambda i: (i, 0)),
        ],
        out_shape=[
            jax.ShapeDtypeStruct((NPAD, H1), jnp.float32),
            jax.ShapeDtypeStruct((NPAD, H1), jnp.bfloat16),
        ],
    )(xw, degp)


def _tc_b_body(accp_ref, y1_ref, degp_ref, b1_ref, w2_ref, y2_ref, y2b_ref):
    dinv = _dinv_of(degp_ref)
    agg = accp_ref[0].astype(jnp.float32) + accp_ref[1].astype(jnp.float32)
    pre = (agg + y1_ref[...]) * dinv + b1_ref[...]
    h = jnp.maximum(pre, 0.0)
    hw = jnp.dot(h, w2_ref[...], preferred_element_type=jnp.float32)
    y2 = hw * dinv
    y2_ref[...] = y2
    y2b_ref[...] = y2.astype(jnp.bfloat16)


def _tc_b(accp, y1, degp, b1, w2):
    return pl.pallas_call(
        _tc_b_body,
        grid=(NPAD // _BM,),
        in_specs=[
            pl.BlockSpec((NC, _BM, H1), lambda i: (0, i, 0)),
            pl.BlockSpec((_BM, H1), lambda i: (i, 0)),
            pl.BlockSpec((NC, _BM, 16), lambda i: (0, i, 0)),
            pl.BlockSpec((1, H1), lambda i: (0, 0)),
            pl.BlockSpec((H1, H2), lambda i: (0, 0)),
        ],
        out_specs=[
            pl.BlockSpec((_BM, H2), lambda i: (i, 0)),
            pl.BlockSpec((_BM, H2), lambda i: (i, 0)),
        ],
        out_shape=[
            jax.ShapeDtypeStruct((NPAD, H2), jnp.float32),
            jax.ShapeDtypeStruct((NPAD, H2), jnp.bfloat16),
        ],
    )(accp, y1, degp, b1.reshape(1, H1), w2)


def _tc_c_body(accp_ref, y2_ref, degp_ref, b2_ref, out_ref):
    dinv = _dinv_of(degp_ref)
    agg = accp_ref[0].astype(jnp.float32) + accp_ref[1].astype(jnp.float32)
    pre = (agg + y2_ref[...]) * dinv + b2_ref[...]
    out_ref[...] = jnp.maximum(pre, 0.0)


def _tc_c(accp, y2, degp, b2):
    return pl.pallas_call(
        _tc_c_body,
        grid=(NPAD // _BM,),
        in_specs=[
            pl.BlockSpec((NC, _BM, H2), lambda i: (0, i, 0)),
            pl.BlockSpec((_BM, H2), lambda i: (i, 0)),
            pl.BlockSpec((NC, _BM, 16), lambda i: (0, i, 0)),
            pl.BlockSpec((1, H2), lambda i: (0, 0)),
        ],
        out_specs=pl.BlockSpec((_BM, H2), lambda i: (i, 0)),
        out_shape=jax.ShapeDtypeStruct((NPAD, H2), jnp.float32),
    )(accp, y2, degp, b2.reshape(1, H2))


def kernel(x, edge_index, W1, b1, W2, b2):
    i32 = jnp.int32
    src = edge_index[0].astype(i32)
    dst = edge_index[1].astype(i32)
    pad = N + jnp.arange(EPAD - E, dtype=i32) % (NPAD - N)
    src_p = jnp.concatenate([src, pad]).reshape(NCHUNKS, CHUNK)
    dst_p = jnp.concatenate([dst, pad]).reshape(NCHUNKS, CHUNK)
    x_p = jnp.pad(x, ((0, NPAD - N), (0, 0)))

    xw1 = _tc_mm(x_p, W1)
    degp = _deg_kernel(dst_p)
    y1, y1b = _tc_a(xw1, degp)
    acc1 = _agg128(y1b, src_p, dst_p)
    y2, y2b = _tc_b(acc1, y1, degp, b1, W2)
    acc2 = _agg64(y2b, src_p, dst_p)
    out = _tc_c(acc2, y2, degp, b2)
    return out[:N]

# --- scband reference (transcript-rebuilt; emitter-appended) ---
"""Pipeline reference for scband-encoder-76819785056520 (READ-ONLY COPY).

The authoritative reference and input builder live on the scoring server;
editing this copy changes nothing except your own understanding.
"""

import jax, jax.numpy as jnp
import numpy as np

N_NODES = 10000
N_EDGES = 320000
IN_DIM = 128
H1 = 128
H2 = 64


def gcn_conv(x, edge_index, W, b, num_nodes):
    # Faithful PyG GCNConv: x' = D^{-1/2} (A + I) D^{-1/2} X W + b
    x = x @ W
    src = edge_index[0]
    dst = edge_index[1]
    loop = jnp.arange(num_nodes, dtype=edge_index.dtype)
    src = jnp.concatenate([src, loop])
    dst = jnp.concatenate([dst, loop])
    deg = jnp.zeros((num_nodes,), dtype=x.dtype).at[dst].add(1.0)
    deg_inv_sqrt = jnp.where(deg > 0, jax.lax.rsqrt(jnp.where(deg > 0, deg, 1.0)), 0.0)
    norm = deg_inv_sqrt[src] * deg_inv_sqrt[dst]
    msg = jnp.take(x, src, axis=0) * norm[:, None]
    out = jnp.zeros((num_nodes, x.shape[1]), dtype=x.dtype).at[dst].add(msg)
    return out + b


def setup_inputs(seed: int = 0) -> dict:
    key = jax.random.key(seed)
    k_x, k_e, k_w1, k_w2 = jax.random.split(key, 4)
    x = jax.random.normal(k_x, (N_NODES, IN_DIM), dtype=jnp.float32)
    edge_index = jax.random.randint(k_e, (2, N_EDGES), 0, N_NODES, dtype=jnp.int64)
    s1 = 1.0 / np.sqrt(IN_DIM)
    s2 = 1.0 / np.sqrt(H1)
    W1 = jax.random.uniform(k_w1, (IN_DIM, H1), dtype=jnp.float32, minval=-s1, maxval=s1)
    b1 = jnp.zeros((H1,), dtype=jnp.float32)
    W2 = jax.random.uniform(k_w2, (H1, H2), dtype=jnp.float32, minval=-s2, maxval=s2)
    b2 = jnp.zeros((H2,), dtype=jnp.float32)
    return {"x": x, "edge_index": edge_index, "W1": W1, "b1": b1, "W2": W2, "b2": b2}


def reference(x, edge_index, W1, b1, W2, b2):
    h = gcn_conv(x, edge_index, W1, b1, N_NODES)
    h = jax.nn.relu(h)
    h = gcn_conv(h, edge_index, W2, b2, N_NODES)
    h = jax.nn.relu(h)
    return h

if __name__ == "__main__":
    import jax
    _d = setup_inputs()
    print(jax.jit(kernel)(*tuple(_d.values())))

</pallas_src>

<mosaic_0001>
#map = affine_map<(d0, d1) -> (0, 0)>
#map1 = affine_map<(d0, d1) -> (0, 0, 0)>
module attributes {stable_mosaic.version = 14 : i64} {
  func.func @_agg(%arg0: i32, %arg1: i32, %arg2: memref<10240x128xbf16, #tpu.memory_space<hbm>>, %arg3: memref<2560x128xi32, #tpu.memory_space<hbm>>, %arg4: memref<2560x128xi32, #tpu.memory_space<hbm>>, %arg5: memref<2x10240x128xbf16, #tpu.memory_space<hbm>>, %arg6: memref<40x128xi32, #tpu.memory_space<vmem>>, %arg7: memref<40x128xi32, #tpu.memory_space<vmem>>, %arg8: memref<128x128xbf16, #tpu.memory_space<vmem>>, %arg9: memref<128x128xbf16, #tpu.memory_space<vmem>>, %arg10: memref<!tpu.dma_semaphore, #tpu.memory_space<semaphore_mem>>, %arg11: memref<!tpu.dma_semaphore, #tpu.memory_space<semaphore_mem>>, %arg12: memref<10240x128xbf16, #tpu.memory_space<vmem_shared>>) attributes {dimension_semantics = [#tpu.dimension_semantics<core_parallel>, #tpu.dimension_semantics<subcore_parallel>], iteration_bounds = array<i64: 2, 16>, scalar_prefetch = 0 : i64, scratch_operands = 7 : i64, tpu.core_type = #tpu.core_type<sc_vector_subcore>, window_params = [{transform_indices = #map}, {transform_indices = #map}, {transform_indices = #map}, {transform_indices = #map1}]} {
    %mul3A = arith.constant 2 : i32
    %mul3A_0 = arith.muli %arg1, %mul3A : i32
    %add3A = arith.addi %mul3A_0, %arg0 : i32
    %scan3A = arith.constant 0 : i32
    %scan3A_1 = arith.constant 0 : i32
    %scan3A_2 = arith.constant 128 : i32
    %scan3A_3 = arith.addi %scan3A_1, %scan3A_2 : i32
    %scan3A_4 = arith.constant 1 : i32
    %scan3A_5 = scf.for %scan3A_67 = %scan3A_1 to %scan3A_3 step %scan3A_4 iter_args(%scan3A_68 = %scan3A) -> (i32)  : i32 {
      %broadcast_in_dim3A = arith.constant 0.000000e+00 : bf16
      %broadcast_in_dim3A_69 = vector.broadcast %broadcast_in_dim3A : bf16 to vector<32xbf16>
      %swap3A = arith.index_cast %scan3A_67 : i32 to index
      %swap3A_70 = arith.constant 0 : index
      %swap3A_71 = tpu.vector_load %arg8[%swap3A, %swap3A_70] {strides = array<i32>} : memref<128x128xbf16, #tpu.memory_space<vmem>>, vector<1x32xbf16>,
      %swap3A_72 = vector.shape_cast %swap3A_71 : vector<1x32xbf16> to vector<32xbf16>
      %swap3A_73 = vector.shape_cast %broadcast_in_dim3A_69 : vector<32xbf16> to vector<1x32xbf16>
      tpu.vector_store %arg8[%swap3A, %swap3A_70], %swap3A_73 {strides = array<i32>} : memref<128x128xbf16, #tpu.memory_space<vmem>>, vector<1x32xbf16>,
      %broadcast_in_dim3A_74 = arith.constant 0.000000e+00 : bf16
      %broadcast_in_dim3A_75 = vector.broadcast %broadcast_in_dim3A_74 : bf16 to vector<32xbf16>
      %swap3A_76 = arith.index_cast %scan3A_67 : i32 to index
      %swap3A_77 = arith.constant 32 : index
      %swap3A_78 = tpu.vector_load %arg8[%swap3A_76, %swap3A_77] {strides = array<i32>} : memref<128x128xbf16, #tpu.memory_space<vmem>>, vector<1x32xbf16>,
      %swap3A_79 = vector.shape_cast %swap3A_78 : vector<1x32xbf16> to vector<32xbf16>
      %swap3A_80 = vector.shape_cast %broadcast_in_dim3A_75 : vector<32xbf16> to vector<1x32xbf16>
      tpu.vector_store %arg8[%swap3A_76, %swap3A_77], %swap3A_80 {strides = array<i32>} : memref<128x128xbf16, #tpu.memory_space<vmem>>, vector<1x32xbf16>,
      %broadcast_in_dim3A_81 = arith.constant 0.000000e+00 : bf16
      %broadcast_in_dim3A_82 = vector.broadcast %broadcast_in_dim3A_81 : bf16 to vector<32xbf16>
      %swap3A_83 = arith.index_cast %scan3A_67 : i32 to index
      %swap3A_84 = arith.constant 64 : index
      %swap3A_85 = tpu.vector_load %arg8[%swap3A_83, %swap3A_84] {strides = array<i32>} : memref<128x128xbf16, #tpu.memory_space<vmem>>, vector<1x32xbf16>,
      %swap3A_86 = vector.shape_cast %swap3A_85 : vector<1x32xbf16> to vector<32xbf16>
      %swap3A_87 = vector.shape_cast %broadcast_in_dim3A_82 : vector<32xbf16> to vector<1x32xbf16>
      tpu.vector_store %arg8[%swap3A_83, %swap3A_84], %swap3A_87 {strides = array<i32>} : memref<128x128xbf16, #tpu.memory_space<vmem>>, vector<1x32xbf16>,
      %broadcast_in_dim3A_88 = arith.constant 0.000000e+00 : bf16
      %broadcast_in_dim3A_89 = vector.broadcast %broadcast_in_dim3A_88 : bf16 to vector<32xbf16>
      %swap3A_90 = arith.index_cast %scan3A_67 : i32 to index
      %swap3A_91 = arith.constant 96 : index
      %swap3A_92 = tpu.vector_load %arg8[%swap3A_90, %swap3A_91] {strides = array<i32>} : memref<128x128xbf16, #tpu.memory_space<vmem>>, vector<1x32xbf16>,
      %swap3A_93 = vector.shape_cast %swap3A_92 : vector<1x32xbf16> to vector<32xbf16>
      %swap3A_94 = vector.shape_cast %broadcast_in_dim3A_89 : vector<32xbf16> to vector<1x32xbf16>
      tpu.vector_store %arg8[%swap3A_90, %swap3A_91], %swap3A_94 {strides = array<i32>} : memref<128x128xbf16, #tpu.memory_space<vmem>>, vector<1x32xbf16>,
      %scan3A_95 = arith.constant 0 : i32
      scf.yield %scan3A_95 : i32
    }
    %scan3A_6 = arith.constant 128 : i32
    %mul3A_7 = arith.constant 640 : i32
    %mul3A_8 = arith.muli %arg1, %mul3A_7 : i32
    %add3A_9 = arith.constant 0 : i32
    %add3A_10 = arith.addi %mul3A_8, %add3A_9 : i32
    "tpu.region"() ({
      %run_scoped3A = tpu.sem_alloc : memref<!tpu.dma_semaphore, #tpu.memory_space<semaphore_mem>>
      %dma_start3A_67 = arith.constant 0 : i32
      %dma_start3A_68 = tpu.memref_slice %arg12[%add3A_10, %dma_start3A_67] : memref<10240x128xbf16, #tpu.memory_space<vmem_shared>> -> memref<128x128xbf16, #tpu.memory_space<vmem_shared>>
      %dma_start3A_69 = arith.constant 0 : i32
      %dma_start3A_70 = tpu.memref_slice %arg12[%add3A_10, %dma_start3A_69] : memref<10240x128xbf16, #tpu.memory_space<vmem_shared>> -> memref<128x128xbf16, #tpu.memory_space<vmem_shared>>
      tpu.enqueue_dma source(%arg8 : memref<128x128xbf16, #tpu.memory_space<vmem>>) target(%dma_start3A_70 : memref<128x128xbf16, #tpu.memory_space<vmem_shared>>) target_semaphore(%run_scoped3A : memref<!tpu.dma_semaphore, #tpu.memory_space<semaphore_mem>>)
      %dma_wait3A = arith.constant 0 : i32
      %dma_wait3A_71 = tpu.memref_slice %arg12[%add3A_10, %dma_wait3A] : memref<10240x128xbf16, #tpu.memory_space<vmem_shared>> -> memref<128x128xbf16, #tpu.memory_space<vmem_shared>>
      %dma_wait3A_72 = arith.constant 0 : i32
      %dma_wait3A_73 = tpu.memref_slice %arg12[%add3A_10, %dma_wait3A_72] : memref<10240x128xbf16, #tpu.memory_space<vmem_shared>> -> memref<128x128xbf16, #tpu.memory_space<vmem_shared>>
      tpu.wait_dma2 semaphore(%run_scoped3A : memref<!tpu.dma_semaphore, #tpu.memory_space<semaphore_mem>>) src(%arg8 : memref<128x128xbf16, #tpu.memory_space<vmem>>) dst(%dma_wait3A_73 : memref<128x128xbf16, #tpu.memory_space<vmem_shared>>)
      tpu.yield
    }) : () -> ()
    %mul3A_11 = arith.constant 640 : i32
    %mul3A_12 = arith.muli %arg1, %mul3A_11 : i32
    %add3A_13 = arith.constant 128 : i32
    %add3A_14 = arith.addi %mul3A_12, %add3A_13 : i32
    "tpu.region"() ({
      %run_scoped3A = tpu.sem_alloc : memref<!tpu.dma_semaphore, #tpu.memory_space<semaphore_mem>>
      %dma_start3A_67 = arith.constant 0 : i32
      %dma_start3A_68 = tpu.memref_slice %arg12[%add3A_14, %dma_start3A_67] : memref<10240x128xbf16, #tpu.memory_space<vmem_shared>> -> memref<128x128xbf16, #tpu.memory_space<vmem_shared>>
      %dma_start3A_69 = arith.constant 0 : i32
      %dma_start3A_70 = tpu.memref_slice %arg12[%add3A_14, %dma_start3A_69] : memref<10240x128xbf16, #tpu.memory_space<vmem_shared>> -> memref<128x128xbf16, #tpu.memory_space<vmem_shared>>
      tpu.enqueue_dma source(%arg8 : memref<128x128xbf16, #tpu.memory_space<vmem>>) target(%dma_start3A_70 : memref<128x128xbf16, #tpu.memory_space<vmem_shared>>) target_semaphore(%run_scoped3A : memref<!tpu.dma_semaphore, #tpu.memory_space<semaphore_mem>>)
      %dma_wait3A = arith.constant 0 : i32
      %dma_wait3A_71 = tpu.memref_slice %arg12[%add3A_14, %dma_wait3A] : memref<10240x128xbf16, #tpu.memory_space<vmem_shared>> -> memref<128x128xbf16, #tpu.memory_space<vmem_shared>>
      %dma_wait3A_72 = arith.constant 0 : i32
      %dma_wait3A_73 = tpu.memref_slice %arg12[%add3A_14, %dma_wait3A_72] : memref<10240x128xbf16, #tpu.memory_space<vmem_shared>> -> memref<128x128xbf16, #tpu.memory_space<vmem_shared>>
      tpu.wait_dma2 semaphore(%run_scoped3A : memref<!tpu.dma_semaphore, #tpu.memory_space<semaphore_mem>>) src(%arg8 : memref<128x128xbf16, #tpu.memory_space<vmem>>) dst(%dma_wait3A_73 : memref<128x128xbf16, #tpu.memory_space<vmem_shared>>)
      tpu.yield
    }) : () -> ()
    %mul3A_15 = arith.constant 640 : i32
    %mul3A_16 = arith.muli %arg1, %mul3A_15 : i32
    %add3A_17 = arith.constant 256 : i32
    %add3A_18 = arith.addi %mul3A_16, %add3A_17 : i32
    "tpu.region"() ({
      %run_scoped3A = tpu.sem_alloc : memref<!tpu.dma_semaphore, #tpu.memory_space<semaphore_mem>>
      %dma_start3A_67 = arith.constant 0 : i32
      %dma_start3A_68 = tpu.memref_slice %arg12[%add3A_18, %dma_start3A_67] : memref<10240x128xbf16, #tpu.memory_space<vmem_shared>> -> memref<128x128xbf16, #tpu.memory_space<vmem_shared>>
      %dma_start3A_69 = arith.constant 0 : i32
      %dma_start3A_70 = tpu.memref_slice %arg12[%add3A_18, %dma_start3A_69] : memref<10240x128xbf16, #tpu.memory_space<vmem_shared>> -> memref<128x128xbf16, #tpu.memory_space<vmem_shared>>
      tpu.enqueue_dma source(%arg8 : memref<128x128xbf16, #tpu.memory_space<vmem>>) target(%dma_start3A_70 : memref<128x128xbf16, #tpu.memory_space<vmem_shared>>) target_semaphore(%run_scoped3A : memref<!tpu.dma_semaphore, #tpu.memory_space<semaphore_mem>>)
      %dma_wait3A = arith.constant 0 : i32
      %dma_wait3A_71 = tpu.memref_slice %arg12[%add3A_18, %dma_wait3A] : memref<10240x128xbf16, #tpu.memory_space<vmem_shared>> -> memref<128x128xbf16, #tpu.memory_space<vmem_shared>>
      %dma_wait3A_72 = arith.constant 0 : i32
      %dma_wait3A_73 = tpu.memref_slice %arg12[%add3A_18, %dma_wait3A_72] : memref<10240x128xbf16, #tpu.memory_space<vmem_shared>> -> memref<128x128xbf16, #tpu.memory_space<vmem_shared>>
      tpu.wait_dma2 semaphore(%run_scoped3A : memref<!tpu.dma_semaphore, #tpu.memory_space<semaphore_mem>>) src(%arg8 : memref<128x128xbf16, #tpu.memory_space<vmem>>) dst(%dma_wait3A_73 : memref<128x128xbf16, #tpu.memory_space<vmem_shared>>)
      tpu.yield
    }) : () -> ()
    %mul3A_19 = arith.constant 640 : i32
    %mul3A_20 = arith.muli %arg1, %mul3A_19 : i32
    %add3A_21 = arith.constant 384 : i32
    %add3A_22 = arith.addi %mul3A_20, %add3A_21 : i32
    "tpu.region"() ({
      %run_scoped3A = tpu.sem_alloc : memref<!tpu.dma_semaphore, #tpu.memory_space<semaphore_mem>>
      %dma_start3A_67 = arith.constant 0 : i32
      %dma_start3A_68 = tpu.memref_slice %arg12[%add3A_22, %dma_start3A_67] : memref<10240x128xbf16, #tpu.memory_space<vmem_shared>> -> memref<128x128xbf16, #tpu.memory_space<vmem_shared>>
      %dma_start3A_69 = arith.constant 0 : i32
      %dma_start3A_70 = tpu.memref_slice %arg12[%add3A_22, %dma_start3A_69] : memref<10240x128xbf16, #tpu.memory_space<vmem_shared>> -> memref<128x128xbf16, #tpu.memory_space<vmem_shared>>
      tpu.enqueue_dma source(%arg8 : memref<128x128xbf16, #tpu.memory_space<vmem>>) target(%dma_start3A_70 : memref<128x128xbf16, #tpu.memory_space<vmem_shared>>) target_semaphore(%run_scoped3A : memref<!tpu.dma_semaphore, #tpu.memory_space<semaphore_mem>>)
      %dma_wait3A = arith.constant 0 : i32
      %dma_wait3A_71 = tpu.memref_slice %arg12[%add3A_22, %dma_wait3A] : memref<10240x128xbf16, #tpu.memory_space<vmem_shared>> -> memref<128x128xbf16, #tpu.memory_space<vmem_shared>>
      %dma_wait3A_72 = arith.constant 0 : i32
      %dma_wait3A_73 = tpu.memref_slice %arg12[%add3A_22, %dma_wait3A_72] : memref<10240x128xbf16, #tpu.memory_space<vmem_shared>> -> memref<128x128xbf16, #tpu.memory_space<vmem_shared>>
      tpu.wait_dma2 semaphore(%run_scoped3A : memref<!tpu.dma_semaphore, #tpu.memory_space<semaphore_mem>>) src(%arg8 : memref<128x128xbf16, #tpu.memory_space<vmem>>) dst(%dma_wait3A_73 : memref<128x128xbf16, #tpu.memory_space<vmem_shared>>)
      tpu.yield
    }) : () -> ()
    %mul3A_23 = arith.constant 640 : i32
    %mul3A_24 = arith.muli %arg1, %mul3A_23 : i32
    %add3A_25 = arith.constant 512 : i32
    %add3A_26 = arith.addi %mul3A_24, %add3A_25 : i32
    "tpu.region"() ({
      %run_scoped3A = tpu.sem_alloc : memref<!tpu.dma_semaphore, #tpu.memory_space<semaphore_mem>>
      %dma_start3A_67 = arith.constant 0 : i32
      %dma_start3A_68 = tpu.memref_slice %arg12[%add3A_26, %dma_start3A_67] : memref<10240x128xbf16, #tpu.memory_space<vmem_shared>> -> memref<128x128xbf16, #tpu.memory_space<vmem_shared>>
      %dma_start3A_69 = arith.constant 0 : i32
      %dma_start3A_70 = tpu.memref_slice %arg12[%add3A_26, %dma_start3A_69] : memref<10240x128xbf16, #tpu.memory_space<vmem_shared>> -> memref<128x128xbf16, #tpu.memory_space<vmem_shared>>
      tpu.enqueue_dma source(%arg8 : memref<128x128xbf16, #tpu.memory_space<vmem>>) target(%dma_start3A_70 : memref<128x128xbf16, #tpu.memory_space<vmem_shared>>) target_semaphore(%run_scoped3A : memref<!tpu.dma_semaphore, #tpu.memory_space<semaphore_mem>>)
      %dma_wait3A = arith.constant 0 : i32
      %dma_wait3A_71 = tpu.memref_slice %arg12[%add3A_26, %dma_wait3A] : memref<10240x128xbf16, #tpu.memory_space<vmem_shared>> -> memref<128x128xbf16, #tpu.memory_space<vmem_shared>>
      %dma_wait3A_72 = arith.constant 0 : i32
      %dma_wait3A_73 = tpu.memref_slice %arg12[%add3A_26, %dma_wait3A_72] : memref<10240x128xbf16, #tpu.memory_space<vmem_shared>> -> memref<128x128xbf16, #tpu.memory_space<vmem_shared>>
      tpu.wait_dma2 semaphore(%run_scoped3A : memref<!tpu.dma_semaphore, #tpu.memory_space<semaphore_mem>>) src(%arg8 : memref<128x128xbf16, #tpu.memory_space<vmem>>) dst(%dma_wait3A_73 : memref<128x128xbf16, #tpu.memory_space<vmem_shared>>)
      tpu.yield
    }) : () -> ()
    %barrier3A = arith.constant 0 : index
    tpu.barrier barrier_id(%barrier3A)
    %mul3A_27 = arith.constant 80 : i32
    %mul3A_28 = arith.muli %add3A, %mul3A_27 : i32
    %add3A_29 = arith.constant 0 : i32
    %add3A_30 = arith.addi %mul3A_28, %add3A_29 : i32
    "tpu.region"() ({
      %run_scoped3A = tpu.sem_alloc : memref<!tpu.dma_semaphore, #tpu.memory_space<semaphore_mem>>
      %dma_start3A_67 = arith.constant 0 : i32
      %dma_start3A_68 = tpu.memref_slice %arg3[%add3A_30, %dma_start3A_67] : memref<2560x128xi32, #tpu.memory_space<hbm>> -> memref<40x128xi32, #tpu.memory_space<hbm>>
      %dma_start3A_69 = arith.constant 0 : i32
      %dma_start3A_70 = tpu.memref_slice %arg3[%add3A_30, %dma_start3A_69] : memref<2560x128xi32, #tpu.memory_space<hbm>> -> memref<40x128xi32, #tpu.memory_space<hbm>>
      tpu.enqueue_dma source(%dma_start3A_70 : memref<40x128xi32, #tpu.memory_space<hbm>>) target(%arg6 : memref<40x128xi32, #tpu.memory_space<vmem>>) target_semaphore(%run_scoped3A : memref<!tpu.dma_semaphore, #tpu.memory_space<semaphore_mem>>)
      %dma_wait3A = arith.constant 0 : i32
      %dma_wait3A_71 = tpu.memref_slice %arg3[%add3A_30, %dma_wait3A] : memref<2560x128xi32, #tpu.memory_space<hbm>> -> memref<40x128xi32, #tpu.memory_space<hbm>>
      %dma_wait3A_72 = arith.constant 0 : i32
      %dma_wait3A_73 = tpu.memref_slice %arg3[%add3A_30, %dma_wait3A_72] : memref<2560x128xi32, #tpu.memory_space<hbm>> -> memref<40x128xi32, #tpu.memory_space<hbm>>
      tpu.wait_dma2 semaphore(%run_scoped3A : memref<!tpu.dma_semaphore, #tpu.memory_space<semaphore_mem>>) src(%dma_wait3A_73 : memref<40x128xi32, #tpu.memory_space<hbm>>) dst(%arg6 : memref<40x128xi32, #tpu.memory_space<vmem>>)
      tpu.yield
    }) : () -> ()
    "tpu.region"() ({
      %run_scoped3A = tpu.sem_alloc : memref<!tpu.dma_semaphore, #tpu.memory_space<semaphore_mem>>
      %dma_start3A_67 = arith.constant 0 : i32
      %dma_start3A_68 = tpu.memref_slice %arg4[%add3A_30, %dma_start3A_67] : memref<2560x128xi32, #tpu.memory_space<hbm>> -> memref<40x128xi32, #tpu.memory_space<hbm>>
      %dma_start3A_69 = arith.constant 0 : i32
      %dma_start3A_70 = tpu.memref_slice %arg4[%add3A_30, %dma_start3A_69] : memref<2560x128xi32, #tpu.memory_space<hbm>> -> memref<40x128xi32, #tpu.memory_space<hbm>>
      tpu.enqueue_dma source(%dma_start3A_70 : memref<40x128xi32, #tpu.memory_space<hbm>>) target(%arg7 : memref<40x128xi32, #tpu.memory_space<vmem>>) target_semaphore(%run_scoped3A : memref<!tpu.dma_semaphore, #tpu.memory_space<semaphore_mem>>)
      %dma_wait3A = arith.constant 0 : i32
      %dma_wait3A_71 = tpu.memref_slice %arg4[%add3A_30, %dma_wait3A] : memref<2560x128xi32, #tpu.memory_space<hbm>> -> memref<40x128xi32, #tpu.memory_space<hbm>>
      %dma_wait3A_72 = arith.constant 0 : i32
      %dma_wait3A_73 = tpu.memref_slice %arg4[%add3A_30, %dma_wait3A_72] : memref<2560x128xi32, #tpu.memory_space<hbm>> -> memref<40x128xi32, #tpu.memory_space<hbm>>
      tpu.wait_dma2 semaphore(%run_scoped3A : memref<!tpu.dma_semaphore, #tpu.memory_space<semaphore_mem>>) src(%dma_wait3A_73 : memref<40x128xi32, #tpu.memory_space<hbm>>) dst(%arg7 : memref<40x128xi32, #tpu.memory_space<vmem>>)
      tpu.yield
    }) : () -> ()
    %dma_start3A = arith.constant 0 : i32
    %dma_start3A_31 = arith.constant 0 : i32
    %dma_start3A_32 = tpu.memref_slice %arg6[%dma_start3A, %dma_start3A_31] : memref<40x128xi32, #tpu.memory_space<vmem>> -> memref<1x128xi32, #tpu.memory_space<vmem>>
    %dma_start3A_33 = tpu.memref_squeeze %dma_start3A_32 : memref<1x128xi32, #tpu.memory_space<vmem>> -> memref<128xi32, #tpu.memory_space<vmem>>
    %dma_start3A_34 = arith.constant 0 : i32
    %dma_start3A_35 = arith.constant 0 : i32
    %dma_start3A_36 = tpu.memref_slice %arg2[%dma_start3A_34, %dma_start3A_35] : memref<10240x128xbf16, #tpu.memory_space<hbm>> -> memref<10240x128xbf16, #tpu.memory_space<hbm>>
    tpu.enqueue_indirect_dma source(%dma_start3A_36 : memref<10240x128xbf16, #tpu.memory_space<hbm>>) target(%arg8 : memref<128x128xbf16, #tpu.memory_space<vmem>>) offsets(%dma_start3A_33 : memref<128xi32, #tpu.memory_space<vmem>>) semaphore(%arg10 : memref<!tpu.dma_semaphore, #tpu.memory_space<semaphore_mem>>)
    %scan3A_37 = arith.constant 0 : i32
    %scan3A_38 = arith.constant 0 : i32
    %scan3A_39 = arith.constant 20 : i32
    %scan3A_40 = arith.addi %scan3A_38, %scan3A_39 : i32
    %scan3A_41 = arith.constant 1 : i32
    %scan3A_42 = scf.for %scan3A_67 = %scan3A_38 to %scan3A_40 step %scan3A_41 iter_args(%scan3A_68 = %scan3A_37) -> (i32)  : i32 {
      %mul3A_69 = arith.constant 2 : i32
      %mul3A_70 = arith.muli %mul3A_69, %scan3A_67 : i32
      %mul3A_71 = arith.constant 2 : i32
      %mul3A_72 = arith.muli %mul3A_71, %scan3A_67 : i32
      %add3A_73 = arith.constant 1 : i32
      %add3A_74 = arith.addi %mul3A_72, %add3A_73 : i32
      %dma_start3A_75 = arith.constant 0 : i32
      %dma_start3A_76 = tpu.memref_slice %arg6[%add3A_74, %dma_start3A_75] : memref<40x128xi32, #tpu.memory_space<vmem>> -> memref<1x128xi32, #tpu.memory_space<vmem>>
      %dma_start3A_77 = tpu.memref_squeeze %dma_start3A_76 : memref<1x128xi32, #tpu.memory_space<vmem>> -> memref<128xi32, #tpu.memory_space<vmem>>
      %dma_start3A_78 = arith.constant 0 : i32
      %dma_start3A_79 = arith.constant 0 : i32
      %dma_start3A_80 = tpu.memref_slice %arg2[%dma_start3A_78, %dma_start3A_79] : memref<10240x128xbf16, #tpu.memory_space<hbm>> -> memref<10240x128xbf16, #tpu.memory_space<hbm>>
      tpu.enqueue_indirect_dma source(%dma_start3A_80 : memref<10240x128xbf16, #tpu.memory_space<hbm>>) target(%arg9 : memref<128x128xbf16, #tpu.memory_space<vmem>>) offsets(%dma_start3A_77 : memref<128xi32, #tpu.memory_space<vmem>>) semaphore(%arg11 : memref<!tpu.dma_semaphore, #tpu.memory_space<semaphore_mem>>)
      %dma_wait3A = arith.constant 0 : i32
      %dma_wait3A_81 = tpu.memref_slice %arg6[%mul3A_70, %dma_wait3A] : memref<40x128xi32, #tpu.memory_space<vmem>> -> memref<1x128xi32, #tpu.memory_space<vmem>>
      %dma_wait3A_82 = tpu.memref_squeeze %dma_wait3A_81 : memref<1x128xi32, #tpu.memory_space<vmem>> -> memref<128xi32, #tpu.memory_space<vmem>>
      %dma_wait3A_83 = arith.constant 0 : i32
      %dma_wait3A_84 = arith.constant 0 : i32
      %dma_wait3A_85 = tpu.memref_slice %arg2[%dma_wait3A_83, %dma_wait3A_84] : memref<10240x128xbf16, #tpu.memory_space<hbm>> -> memref<10240x128xbf16, #tpu.memory_space<hbm>>
      tpu.wait_indirect_dma semaphore(%arg10 : memref<!tpu.dma_semaphore, #tpu.memory_space<semaphore_mem>>) src(%dma_wait3A_85 : memref<10240x128xbf16, #tpu.memory_space<hbm>>) dst(%arg8 : memref<128x128xbf16, #tpu.memory_space<vmem>>)
      "tpu.region"() ({
        %run_scoped3A = tpu.sem_alloc : memref<!tpu.dma_semaphore, #tpu.memory_space<semaphore_mem>>
        %dma_start3A_95 = arith.constant 0 : i32
        %dma_start3A_96 = tpu.memref_slice %arg7[%mul3A_70, %dma_start3A_95] : memref<40x128xi32, #tpu.memory_space<vmem>> -> memref<1x128xi32, #tpu.memory_space<vmem>>
        %dma_start3A_97 = tpu.memref_squeeze %dma_start3A_96 : memref<1x128xi32, #tpu.memory_space<vmem>> -> memref<128xi32, #tpu.memory_space<vmem>>
        %dma_start3A_98 = arith.constant 0 : i32
        %dma_start3A_99 = arith.constant 0 : i32
        %dma_start3A_100 = tpu.memref_slice %arg12[%dma_start3A_98, %dma_start3A_99] : memref<10240x128xbf16, #tpu.memory_space<vmem_shared>> -> memref<10240x128xbf16, #tpu.memory_space<vmem_shared>>
        tpu.enqueue_indirect_dma source(%arg8 : memref<128x128xbf16, #tpu.memory_space<vmem>>) target(%dma_start3A_100 : memref<10240x128xbf16, #tpu.memory_space<vmem_shared>>) offsets(%dma_start3A_97 : memref<128xi32, #tpu.memory_space<vmem>>) semaphore(%run_scoped3A : memref<!tpu.dma_semaphore, #tpu.memory_space<semaphore_mem>>) {add = true}
        %dma_wait3A_101 = arith.constant 0 : i32
        %dma_wait3A_102 = tpu.memref_slice %arg7[%mul3A_70, %dma_wait3A_101] : memref<40x128xi32, #tpu.memory_space<vmem>> -> memref<1x128xi32, #tpu.memory_space<vmem>>
        %dma_wait3A_103 = tpu.memref_squeeze %dma_wait3A_102 : memref<1x128xi32, #tpu.memory_space<vmem>> -> memref<128xi32, #tpu.memory_space<vmem>>
        %dma_wait3A_104 = arith.constant 0 : i32
        %dma_wait3A_105 = arith.constant 0 : i32
        %dma_wait3A_106 = tpu.memref_slice %arg12[%dma_wait3A_104, %dma_wait3A_105] : memref<10240x128xbf16, #tpu.memory_space<vmem_shared>> -> memref<10240x128xbf16, #tpu.memory_space<vmem_shared>>
        tpu.wait_indirect_dma semaphore(%run_scoped3A : memref<!tpu.dma_semaphore, #tpu.memory_space<semaphore_mem>>) src(%arg8 : memref<128x128xbf16, #tpu.memory_space<vmem>>) dst(%dma_wait3A_106 : memref<10240x128xbf16, #tpu.memory_space<vmem_shared>>)
        tpu.yield
      }) : () -> ()
      %lt3A = arith.constant 19 : i32
      %lt3A_86 = arith.cmpi slt, %scan3A_67, %lt3A : i32
      %convert_element_type3A = arith.extui %lt3A_86 : i1 to i32
      %cond3A = arith.constant 0 : i32
      %cond3A_87 = arith.cmpi ne, %convert_element_type3A, %cond3A : i32
      scf.if %cond3A_87 {
        %add3A_95 = arith.constant 2 : i32
        %add3A_96 = arith.addi %mul3A_70, %add3A_95 : i32
        %dma_start3A_97 = arith.constant 0 : i32
        %dma_start3A_98 = tpu.memref_slice %arg6[%add3A_96, %dma_start3A_97] : memref<40x128xi32, #tpu.memory_space<vmem>> -> memref<1x128xi32, #tpu.memory_space<vmem>>
        %dma_start3A_99 = tpu.memref_squeeze %dma_start3A_98 : memref<1x128xi32, #tpu.memory_space<vmem>> -> memref<128xi32, #tpu.memory_space<vmem>>
        %dma_start3A_100 = arith.constant 0 : i32
        %dma_start3A_101 = arith.constant 0 : i32
        %dma_start3A_102 = tpu.memref_slice %arg2[%dma_start3A_100, %dma_start3A_101] : memref<10240x128xbf16, #tpu.memory_space<hbm>> -> memref<10240x128xbf16, #tpu.memory_space<hbm>>
        tpu.enqueue_indirect_dma source(%dma_start3A_102 : memref<10240x128xbf16, #tpu.memory_space<hbm>>) target(%arg8 : memref<128x128xbf16, #tpu.memory_space<vmem>>) offsets(%dma_start3A_99 : memref<128xi32, #tpu.memory_space<vmem>>) semaphore(%arg10 : memref<!tpu.dma_semaphore, #tpu.memory_space<semaphore_mem>>)
      } else {
      }
      %dma_wait3A_88 = arith.constant 0 : i32
      %dma_wait3A_89 = tpu.memref_slice %arg6[%add3A_74, %dma_wait3A_88] : memref<40x128xi32, #tpu.memory_space<vmem>> -> memref<1x128xi32, #tpu.memory_space<vmem>>
      %dma_wait3A_90 = tpu.memref_squeeze %dma_wait3A_89 : memref<1x128xi32, #tpu.memory_space<vmem>> -> memref<128xi32, #tpu.memory_space<vmem>>
      %dma_wait3A_91 = arith.constant 0 : i32
      %dma_wait3A_92 = arith.constant 0 : i32
      %dma_wait3A_93 = tpu.memref_slice %arg2[%dma_wait3A_91, %dma_wait3A_92] : memref<10240x128xbf16, #tpu.memory_space<hbm>> -> memref<10240x128xbf16, #tpu.memory_space<hbm>>
      tpu.wait_indirect_dma semaphore(%arg11 : memref<!tpu.dma_semaphore, #tpu.memory_space<semaphore_mem>>) src(%dma_wait3A_93 : memref<10240x128xbf16, #tpu.memory_space<hbm>>) dst(%arg9 : memref<128x128xbf16, #tpu.memory_space<vmem>>)
      "tpu.region"() ({
        %run_scoped3A = tpu.sem_alloc : memref<!tpu.dma_semaphore, #tpu.memory_space<semaphore_mem>>
        %dma_start3A_95 = arith.constant 0 : i32
        %dma_start3A_96 = tpu.memref_slice %arg7[%add3A_74, %dma_start3A_95] : memref<40x128xi32, #tpu.memory_space<vmem>> -> memref<1x128xi32, #tpu.memory_space<vmem>>
        %dma_start3A_97 = tpu.memref_squeeze %dma_start3A_96 : memref<1x128xi32, #tpu.memory_space<vmem>> -> memref<128xi32, #tpu.memory_space<vmem>>
        %dma_start3A_98 = arith.constant 0 : i32
        %dma_start3A_99 = arith.constant 0 : i32
        %dma_start3A_100 = tpu.memref_slice %arg12[%dma_start3A_98, %dma_start3A_99] : memref<10240x128xbf16, #tpu.memory_space<vmem_shared>> -> memref<10240x128xbf16, #tpu.memory_space<vmem_shared>>
        tpu.enqueue_indirect_dma source(%arg9 : memref<128x128xbf16, #tpu.memory_space<vmem>>) target(%dma_start3A_100 : memref<10240x128xbf16, #tpu.memory_space<vmem_shared>>) offsets(%dma_start3A_97 : memref<128xi32, #tpu.memory_space<vmem>>) semaphore(%run_scoped3A : memref<!tpu.dma_semaphore, #tpu.memory_space<semaphore_mem>>) {add = true}
        %dma_wait3A_101 = arith.constant 0 : i32
        %dma_wait3A_102 = tpu.memref_slice %arg7[%add3A_74, %dma_wait3A_101] : memref<40x128xi32, #tpu.memory_space<vmem>> -> memref<1x128xi32, #tpu.memory_space<vmem>>
        %dma_wait3A_103 = tpu.memref_squeeze %dma_wait3A_102 : memref<1x128xi32, #tpu.memory_space<vmem>> -> memref<128xi32, #tpu.memory_space<vmem>>
        %dma_wait3A_104 = arith.constant 0 : i32
        %dma_wait3A_105 = arith.constant 0 : i32
        %dma_wait3A_106 = tpu.memref_slice %arg12[%dma_wait3A_104, %dma_wait3A_105] : memref<10240x128xbf16, #tpu.memory_space<vmem_shared>> -> memref<10240x128xbf16, #tpu.memory_space<vmem_shared>>
        tpu.wait_indirect_dma semaphore(%run_scoped3A : memref<!tpu.dma_semaphore, #tpu.memory_space<semaphore_mem>>) src(%arg9 : memref<128x128xbf16, #tpu.memory_space<vmem>>) dst(%dma_wait3A_106 : memref<10240x128xbf16, #tpu.memory_space<vmem_shared>>)
        tpu.yield
      }) : () -> ()
      %scan3A_94 = arith.constant 0 : i32
      scf.yield %scan3A_94 : i32
    }
    %scan3A_43 = arith.constant 20 : i32
    %mul3A_44 = arith.constant 80 : i32
    %mul3A_45 = arith.muli %add3A, %mul3A_44 : i32
    %add3A_46 = arith.constant 40 : i32
    %add3A_47 = arith.addi %mul3A_45, %add3A_46 : i32
    "tpu.region"() ({
      %run_scoped3A = tpu.sem_alloc : memref<!tpu.dma_semaphore, #tpu.memory_space<semaphore_mem>>
      %dma_start3A_67 = arith.constant 0 : i32
      %dma_start3A_68 = tpu.memref_slice %arg3[%add3A_47, %dma_start3A_67] : memref<2560x128xi32, #tpu.memory_space<hbm>> -> memref<40x128xi32, #tpu.memory_space<hbm>>
      %dma_start3A_69 = arith.constant 0 : i32
      %dma_start3A_70 = tpu.memref_slice %arg3[%add3A_47, %dma_start3A_69] : memref<2560x128xi32, #tpu.memory_space<hbm>> -> memref<40x128xi32, #tpu.memory_space<hbm>>
      tpu.enqueue_dma source(%dma_start3A_70 : memref<40x128xi32, #tpu.memory_space<hbm>>) target(%arg6 : memref<40x128xi32, #tpu.memory_space<vmem>>) target_semaphore(%run_scoped3A : memref<!tpu.dma_semaphore, #tpu.memory_space<semaphore_mem>>)
      %dma_wait3A = arith.constant 0 : i32
      %dma_wait3A_71 = tpu.memref_slice %arg3[%add3A_47, %dma_wait3A] : memref<2560x128xi32, #tpu.memory_space<hbm>> -> memref<40x128xi32, #tpu.memory_space<hbm>>
      %dma_wait3A_72 = arith.constant 0 : i32
      %dma_wait3A_73 = tpu.memref_slice %arg3[%add3A_47, %dma_wait3A_72] : memref<2560x128xi32, #tpu.memory_space<hbm>> -> memref<40x128xi32, #tpu.memory_space<hbm>>
      tpu.wait_dma2 semaphore(%run_scoped3A : memref<!tpu.dma_semaphore, #tpu.memory_space<semaphore_mem>>) src(%dma_wait3A_73 : memref<40x128xi32, #tpu.memory_space<hbm>>) dst(%arg6 : memref<40x128xi32, #tpu.memory_space<vmem>>)
      tpu.yield
    }) : () -> ()
    "tpu.region"() ({
      %run_scoped3A = tpu.sem_alloc : memref<!tpu.dma_semaphore, #tpu.memory_space<semaphore_mem>>
      %dma_start3A_67 = arith.constant 0 : i32
      %dma_start3A_68 = tpu.memref_slice %arg4[%add3A_47, %dma_start3A_67] : memref<2560x128xi32, #tpu.memory_space<hbm>> -> memref<40x128xi32, #tpu.memory_space<hbm>>
      %dma_start3A_69 = arith.constant 0 : i32
      %dma_start3A_70 = tpu.memref_slice %arg4[%add3A_47, %dma_start3A_69] : memref<2560x128xi32, #tpu.memory_space<hbm>> -> memref<40x128xi32, #tpu.memory_space<hbm>>
      tpu.enqueue_dma source(%dma_start3A_70 : memref<40x128xi32, #tpu.memory_space<hbm>>) target(%arg7 : memref<40x128xi32, #tpu.memory_space<vmem>>) target_semaphore(%run_scoped3A : memref<!tpu.dma_semaphore, #tpu.memory_space<semaphore_mem>>)
      %dma_wait3A = arith.constant 0 : i32
      %dma_wait3A_71 = tpu.memref_slice %arg4[%add3A_47, %dma_wait3A] : memref<2560x128xi32, #tpu.memory_space<hbm>> -> memref<40x128xi32, #tpu.memory_space<hbm>>
      %dma_wait3A_72 = arith.constant 0 : i32
      %dma_wait3A_73 = tpu.memref_slice %arg4[%add3A_47, %dma_wait3A_72] : memref<2560x128xi32, #tpu.memory_space<hbm>> -> memref<40x128xi32, #tpu.memory_space<hbm>>
      tpu.wait_dma2 semaphore(%run_scoped3A : memref<!tpu.dma_semaphore, #tpu.memory_space<semaphore_mem>>) src(%dma_wait3A_73 : memref<40x128xi32, #tpu.memory_space<hbm>>) dst(%arg7 : memref<40x128xi32, #tpu.memory_space<vmem>>)
      tpu.yield
    }) : () -> ()
    %dma_start3A_48 = arith.constant 0 : i32
    %dma_start3A_49 = arith.constant 0 : i32
    %dma_start3A_50 = tpu.memref_slice %arg6[%dma_start3A_48, %dma_start3A_49] : memref<40x128xi32, #tpu.memory_space<vmem>> -> memref<1x128xi32, #tpu.memory_space<vmem>>
    %dma_start3A_51 = tpu.memref_squeeze %dma_start3A_50 : memref<1x128xi32, #tpu.memory_space<vmem>> -> memref<128xi32, #tpu.memory_space<vmem>>
    %dma_start3A_52 = arith.constant 0 : i32
    %dma_start3A_53 = arith.constant 0 : i32
    %dma_start3A_54 = tpu.memref_slice %arg2[%dma_start3A_52, %dma_start3A_53] : memref<10240x128xbf16, #tpu.memory_space<hbm>> -> memref<10240x128xbf16, #tpu.memory_space<hbm>>
    tpu.enqueue_indirect_dma source(%dma_start3A_54 : memref<10240x128xbf16, #tpu.memory_space<hbm>>) target(%arg8 : memref<128x128xbf16, #tpu.memory_space<vmem>>) offsets(%dma_start3A_51 : memref<128xi32, #tpu.memory_space<vmem>>) semaphore(%arg10 : memref<!tpu.dma_semaphore, #tpu.memory_space<semaphore_mem>>)
    %scan3A_55 = arith.constant 0 : i32
    %scan3A_56 = arith.constant 0 : i32
    %scan3A_57 = arith.constant 20 : i32
    %scan3A_58 = arith.addi %scan3A_56, %scan3A_57 : i32
    %scan3A_59 = arith.constant 1 : i32
    %scan3A_60 = scf.for %scan3A_67 = %scan3A_56 to %scan3A_58 step %scan3A_59 iter_args(%scan3A_68 = %scan3A_55) -> (i32)  : i32 {
      %mul3A_69 = arith.constant 2 : i32
      %mul3A_70 = arith.muli %mul3A_69, %scan3A_67 : i32
      %mul3A_71 = arith.constant 2 : i32
      %mul3A_72 = arith.muli %mul3A_71, %scan3A_67 : i32
      %add3A_73 = arith.constant 1 : i32
      %add3A_74 = arith.addi %mul3A_72, %add3A_73 : i32
      %dma_start3A_75 = arith.constant 0 : i32
      %dma_start3A_76 = tpu.memref_slice %arg6[%add3A_74, %dma_start3A_75] : memref<40x128xi32, #tpu.memory_space<vmem>> -> memref<1x128xi32, #tpu.memory_space<vmem>>
      %dma_start3A_77 = tpu.memref_squeeze %dma_start3A_76 : memref<1x128xi32, #tpu.memory_space<vmem>> -> memref<128xi32, #tpu.memory_space<vmem>>
      %dma_start3A_78 = arith.constant 0 : i32
      %dma_start3A_79 = arith.constant 0 : i32
      %dma_start3A_80 = tpu.memref_slice %arg2[%dma_start3A_78, %dma_start3A_79] : memref<10240x128xbf16, #tpu.memory_space<hbm>> -> memref<10240x128xbf16, #tpu.memory_space<hbm>>
      tpu.enqueue_indirect_dma source(%dma_start3A_80 : memref<10240x128xbf16, #tpu.memory_space<hbm>>) target(%arg9 : memref<128x128xbf16, #tpu.memory_space<vmem>>) offsets(%dma_start3A_77 : memref<128xi32, #tpu.memory_space<vmem>>) semaphore(%arg11 : memref<!tpu.dma_semaphore, #tpu.memory_space<semaphore_mem>>)
      %dma_wait3A = arith.constant 0 : i32
      %dma_wait3A_81 = tpu.memref_slice %arg6[%mul3A_70, %dma_wait3A] : memref<40x128xi32, #tpu.memory_space<vmem>> -> memref<1x128xi32, #tpu.memory_space<vmem>>
      %dma_wait3A_82 = tpu.memref_squeeze %dma_wait3A_81 : memref<1x128xi32, #tpu.memory_space<vmem>> -> memref<128xi32, #tpu.memory_space<vmem>>
      %dma_wait3A_83 = arith.constant 0 : i32
      %dma_wait3A_84 = arith.constant 0 : i32
      %dma_wait3A_85 = tpu.memref_slice %arg2[%dma_wait3A_83, %dma_wait3A_84] : memref<10240x128xbf16, #tpu.memory_space<hbm>> -> memref<10240x128xbf16, #tpu.memory_space<hbm>>
      tpu.wait_indirect_dma semaphore(%arg10 : memref<!tpu.dma_semaphore, #tpu.memory_space<semaphore_mem>>) src(%dma_wait3A_85 : memref<10240x128xbf16, #tpu.memory_space<hbm>>) dst(%arg8 : memref<128x128xbf16, #tpu.memory_space<vmem>>)
      "tpu.region"() ({
        %run_scoped3A = tpu.sem_alloc : memref<!tpu.dma_semaphore, #tpu.memory_space<semaphore_mem>>
        %dma_start3A_95 = arith.constant 0 : i32
        %dma_start3A_96 = tpu.memref_slice %arg7[%mul3A_70, %dma_start3A_95] : memref<40x128xi32, #tpu.memory_space<vmem>> -> memref<1x128xi32, #tpu.memory_space<vmem>>
        %dma_start3A_97 = tpu.memref_squeeze %dma_start3A_96 : memref<1x128xi32, #tpu.memory_space<vmem>> -> memref<128xi32, #tpu.memory_space<vmem>>
        %dma_start3A_98 = arith.constant 0 : i32
        %dma_start3A_99 = arith.constant 0 : i32
        %dma_start3A_100 = tpu.memref_slice %arg12[%dma_start3A_98, %dma_start3A_99] : memref<10240x128xbf16, #tpu.memory_space<vmem_shared>> -> memref<10240x128xbf16, #tpu.memory_space<vmem_shared>>
        tpu.enqueue_indirect_dma source(%arg8 : memref<128x128xbf16, #tpu.memory_space<vmem>>) target(%dma_start3A_100 : memref<10240x128xbf16, #tpu.memory_space<vmem_shared>>) offsets(%dma_start3A_97 : memref<128xi32, #tpu.memory_space<vmem>>) semaphore(%run_scoped3A : memref<!tpu.dma_semaphore, #tpu.memory_space<semaphore_mem>>) {add = true}
        %dma_wait3A_101 = arith.constant 0 : i32
        %dma_wait3A_102 = tpu.memref_slice %arg7[%mul3A_70, %dma_wait3A_101] : memref<40x128xi32, #tpu.memory_space<vmem>> -> memref<1x128xi32, #tpu.memory_space<vmem>>
        %dma_wait3A_103 = tpu.memref_squeeze %dma_wait3A_102 : memref<1x128xi32, #tpu.memory_space<vmem>> -> memref<128xi32, #tpu.memory_space<vmem>>
        %dma_wait3A_104 = arith.constant 0 : i32
        %dma_wait3A_105 = arith.constant 0 : i32
        %dma_wait3A_106 = tpu.memref_slice %arg12[%dma_wait3A_104, %dma_wait3A_105] : memref<10240x128xbf16, #tpu.memory_space<vmem_shared>> -> memref<10240x128xbf16, #tpu.memory_space<vmem_shared>>
        tpu.wait_indirect_dma semaphore(%run_scoped3A : memref<!tpu.dma_semaphore, #tpu.memory_space<semaphore_mem>>) src(%arg8 : memref<128x128xbf16, #tpu.memory_space<vmem>>) dst(%dma_wait3A_106 : memref<10240x128xbf16, #tpu.memory_space<vmem_shared>>)
        tpu.yield
      }) : () -> ()
      %lt3A = arith.constant 19 : i32
      %lt3A_86 = arith.cmpi slt, %scan3A_67, %lt3A : i32
      %convert_element_type3A = arith.extui %lt3A_86 : i1 to i32
      %cond3A = arith.constant 0 : i32
      %cond3A_87 = arith.cmpi ne, %convert_element_type3A, %cond3A : i32
      scf.if %cond3A_87 {
        %add3A_95 = arith.constant 2 : i32
        %add3A_96 = arith.addi %mul3A_70, %add3A_95 : i32
        %dma_start3A_97 = arith.constant 0 : i32
        %dma_start3A_98 = tpu.memref_slice %arg6[%add3A_96, %dma_start3A_97] : memref<40x128xi32, #tpu.memory_space<vmem>> -> memref<1x128xi32, #tpu.memory_space<vmem>>
        %dma_start3A_99 = tpu.memref_squeeze %dma_start3A_98 : memref<1x128xi32, #tpu.memory_space<vmem>> -> memref<128xi32, #tpu.memory_space<vmem>>
        %dma_start3A_100 = arith.constant 0 : i32
        %dma_start3A_101 = arith.constant 0 : i32
        %dma_start3A_102 = tpu.memref_slice %arg2[%dma_start3A_100, %dma_start3A_101] : memref<10240x128xbf16, #tpu.memory_space<hbm>> -> memref<10240x128xbf16, #tpu.memory_space<hbm>>
        tpu.enqueue_indirect_dma source(%dma_start3A_102 : memref<10240x128xbf16, #tpu.memory_space<hbm>>) target(%arg8 : memref<128x128xbf16, #tpu.memory_space<vmem>>) offsets(%dma_start3A_99 : memref<128xi32, #tpu.memory_space<vmem>>) semaphore(%arg10 : memref<!tpu.dma_semaphore, #tpu.memory_space<semaphore_mem>>)
      } else {
      }
      %dma_wait3A_88 = arith.constant 0 : i32
      %dma_wait3A_89 = tpu.memref_slice %arg6[%add3A_74, %dma_wait3A_88] : memref<40x128xi32, #tpu.memory_space<vmem>> -> memref<1x128xi32, #tpu.memory_space<vmem>>
      %dma_wait3A_90 = tpu.memref_squeeze %dma_wait3A_89 : memref<1x128xi32, #tpu.memory_space<vmem>> -> memref<128xi32, #tpu.memory_space<vmem>>
      %dma_wait3A_91 = arith.constant 0 : i32
      %dma_wait3A_92 = arith.constant 0 : i32
      %dma_wait3A_93 = tpu.memref_slice %arg2[%dma_wait3A_91, %dma_wait3A_92] : memref<10240x128xbf16, #tpu.memory_space<hbm>> -> memref<10240x128xbf16, #tpu.memory_space<hbm>>
      tpu.wait_indirect_dma semaphore(%arg11 : memref<!tpu.dma_semaphore, #tpu.memory_space<semaphore_mem>>) src(%dma_wait3A_93 : memref<10240x128xbf16, #tpu.memory_space<hbm>>) dst(%arg9 : memref<128x128xbf16, #tpu.memory_space<vmem>>)
      "tpu.region"() ({
        %run_scoped3A = tpu.sem_alloc : memref<!tpu.dma_semaphore, #tpu.memory_space<semaphore_mem>>
        %dma_start3A_95 = arith.constant 0 : i32
        %dma_start3A_96 = tpu.memref_slice %arg7[%add3A_74, %dma_start3A_95] : memref<40x128xi32, #tpu.memory_space<vmem>> -> memref<1x128xi32, #tpu.memory_space<vmem>>
        %dma_start3A_97 = tpu.memref_squeeze %dma_start3A_96 : memref<1x128xi32, #tpu.memory_space<vmem>> -> memref<128xi32, #tpu.memory_space<vmem>>
        %dma_start3A_98 = arith.constant 0 : i32
        %dma_start3A_99 = arith.constant 0 : i32
        %dma_start3A_100 = tpu.memref_slice %arg12[%dma_start3A_98, %dma_start3A_99] : memref<10240x128xbf16, #tpu.memory_space<vmem_shared>> -> memref<10240x128xbf16, #tpu.memory_space<vmem_shared>>
        tpu.enqueue_indirect_dma source(%arg9 : memref<128x128xbf16, #tpu.memory_space<vmem>>) target(%dma_start3A_100 : memref<10240x128xbf16, #tpu.memory_space<vmem_shared>>) offsets(%dma_start3A_97 : memref<128xi32, #tpu.memory_space<vmem>>) semaphore(%run_scoped3A : memref<!tpu.dma_semaphore, #tpu.memory_space<semaphore_mem>>) {add = true}
        %dma_wait3A_101 = arith.constant 0 : i32
        %dma_wait3A_102 = tpu.memref_slice %arg7[%add3A_74, %dma_wait3A_101] : memref<40x128xi32, #tpu.memory_space<vmem>> -> memref<1x128xi32, #tpu.memory_space<vmem>>
        %dma_wait3A_103 = tpu.memref_squeeze %dma_wait3A_102 : memref<1x128xi32, #tpu.memory_space<vmem>> -> memref<128xi32, #tpu.memory_space<vmem>>
        %dma_wait3A_104 = arith.constant 0 : i32
        %dma_wait3A_105 = arith.constant 0 : i32
        %dma_wait3A_106 = tpu.memref_slice %arg12[%dma_wait3A_104, %dma_wait3A_105] : memref<10240x128xbf16, #tpu.memory_space<vmem_shared>> -> memref<10240x128xbf16, #tpu.memory_space<vmem_shared>>
        tpu.wait_indirect_dma semaphore(%run_scoped3A : memref<!tpu.dma_semaphore, #tpu.memory_space<semaphore_mem>>) src(%arg9 : memref<128x128xbf16, #tpu.memory_space<vmem>>) dst(%dma_wait3A_106 : memref<10240x128xbf16, #tpu.memory_space<vmem_shared>>)
        tpu.yield
      }) : () -> ()
      %scan3A_94 = arith.constant 0 : i32
      scf.yield %scan3A_94 : i32
    }
    %scan3A_61 = arith.constant 20 : i32
    %barrier3A_62 = arith.constant 0 : index
    tpu.barrier barrier_id(%barrier3A_62)
    %mul3A_63 = arith.constant 640 : i32
    %mul3A_64 = arith.muli %arg1, %mul3A_63 : i32
    %mul3A_65 = arith.constant 640 : i32
    %mul3A_66 = arith.muli %arg1, %mul3A_65 : i32
    "tpu.region"() ({
      %run_scoped3A = tpu.sem_alloc : memref<!tpu.dma_semaphore, #tpu.memory_space<semaphore_mem>>
      %dma_start3A_67 = arith.constant 0 : i32
      %dma_start3A_68 = tpu.memref_slice %arg5[%arg0, %mul3A_66, %dma_start3A_67] : memref<2x10240x128xbf16, #tpu.memory_space<hbm>> -> memref<1x640x128xbf16, #tpu.memory_space<hbm>>
      %dma_start3A_69 = tpu.memref_squeeze %dma_start3A_68 : memref<1x640x128xbf16, #tpu.memory_space<hbm>> -> memref<640x128xbf16, #tpu.memory_space<hbm>>
      %dma_start3A_70 = arith.constant 0 : i32
      %dma_start3A_71 = tpu.memref_slice %arg12[%mul3A_64, %dma_start3A_70] : memref<10240x128xbf16, #tpu.memory_space<vmem_shared>> -> memref<640x128xbf16, #tpu.memory_space<vmem_shared>>
      tpu.enqueue_dma source(%dma_start3A_71 : memref<640x128xbf16, #tpu.memory_space<vmem_shared>>) target(%dma_start3A_69 : memref<640x128xbf16, #tpu.memory_space<hbm>>) target_semaphore(%run_scoped3A : memref<!tpu.dma_semaphore, #tpu.memory_space<semaphore_mem>>)
      %dma_wait3A = arith.constant 0 : i32
      %dma_wait3A_72 = tpu.memref_slice %arg5[%arg0, %mul3A_66, %dma_wait3A] : memref<2x10240x128xbf16, #tpu.memory_space<hbm>> -> memref<1x640x128xbf16, #tpu.memory_space<hbm>>
      %dma_wait3A_73 = tpu.memref_squeeze %dma_wait3A_72 : memref<1x640x128xbf16, #tpu.memory_space<hbm>> -> memref<640x128xbf16, #tpu.memory_space<hbm>>
      %dma_wait3A_74 = arith.constant 0 : i32
      %dma_wait3A_75 = tpu.memref_slice %arg12[%mul3A_64, %dma_wait3A_74] : memref<10240x128xbf16, #tpu.memory_space<vmem_shared>> -> memref<640x128xbf16, #tpu.memory_space<vmem_shared>>
      tpu.wait_dma2 semaphore(%run_scoped3A : memref<!tpu.dma_semaphore, #tpu.memory_space<semaphore_mem>>) src(%dma_wait3A_75 : memref<640x128xbf16, #tpu.memory_space<vmem_shared>>) dst(%dma_wait3A_73 : memref<640x128xbf16, #tpu.memory_space<hbm>>)
      tpu.yield
    }) : () -> ()
    return
  }
}

#map = affine_map<(d0, d1) -> (0, 0)>
#map1 = affine_map<(d0, d1) -> (0, 0, 0)>
module attributes {stable_mosaic.version = 14 : i64} {
  func.func @_deg_kernel(%arg0: i32, %arg1: i32, %arg2: memref<2560x128xi32, #tpu.memory_space<hbm>>, %arg3: memref<2x10240x16xf32, #tpu.memory_space<hbm>>, %arg4: memref<80x128xi32, #tpu.memory_space<vmem>>, %arg5: memref<128x16xf32, #tpu.memory_space<vmem>>, %arg6: memref<10240x16xf32, #tpu.memory_space<vmem_shared>>) attributes {dimension_semantics = [#tpu.dimension_semantics<core_parallel>, #tpu.dimension_semantics<subcore_parallel>], iteration_bounds = array<i64: 2, 16>, scalar_prefetch = 0 : i64, scratch_operands = 3 : i64, tpu.core_type = #tpu.core_type<sc_vector_subcore>, window_params = [{transform_indices = #map}, {transform_indices = #map1}]} {
    %mul3A = arith.constant 2 : i32
    %mul3A_0 = arith.muli %arg1, %mul3A : i32
    %add3A = arith.addi %mul3A_0, %arg0 : i32
    %scan3A = arith.constant 0 : i32
    %scan3A_1 = arith.constant 0 : i32
    %scan3A_2 = arith.constant 128 : i32
    %scan3A_3 = arith.addi %scan3A_1, %scan3A_2 : i32
    %scan3A_4 = arith.constant 1 : i32
    %scan3A_5 = scf.for %scan3A_48 = %scan3A_1 to %scan3A_3 step %scan3A_4 iter_args(%scan3A_49 = %scan3A) -> (i32)  : i32 {
      %broadcast_in_dim3A = arith.constant 0.000000e+00 : f32
      %broadcast_in_dim3A_50 = vector.broadcast %broadcast_in_dim3A : f32 to vector<16xf32>
      %swap3A = arith.index_cast %scan3A_48 : i32 to index
      %swap3A_51 = arith.constant 0 : index
      %swap3A_52 = tpu.vector_load %arg5[%swap3A, %swap3A_51] {strides = array<i32>} : memref<128x16xf32, #tpu.memory_space<vmem>>, vector<1x16xf32>,
      %swap3A_53 = vector.shape_cast %swap3A_52 : vector<1x16xf32> to vector<16xf32>
      %swap3A_54 = vector.shape_cast %broadcast_in_dim3A_50 : vector<16xf32> to vector<1x16xf32>
      tpu.vector_store %arg5[%swap3A, %swap3A_51], %swap3A_54 {strides = array<i32>} : memref<128x16xf32, #tpu.memory_space<vmem>>, vector<1x16xf32>,
      %scan3A_55 = arith.constant 0 : i32
      scf.yield %scan3A_55 : i32
    }
    %scan3A_6 = arith.constant 128 : i32
    %mul3A_7 = arith.constant 640 : i32
    %mul3A_8 = arith.muli %arg1, %mul3A_7 : i32
    %add3A_9 = arith.constant 0 : i32
    %add3A_10 = arith.addi %mul3A_8, %add3A_9 : i32
    "tpu.region"() ({
      %run_scoped3A = tpu.sem_alloc : memref<!tpu.dma_semaphore, #tpu.memory_space<semaphore_mem>>
      %dma_start3A = arith.constant 0 : i32
      %dma_start3A_48 = tpu.memref_slice %arg6[%add3A_10, %dma_start3A] : memref<10240x16xf32, #tpu.memory_space<vmem_shared>> -> memref<128x16xf32, #tpu.memory_space<vmem_shared>>
      %dma_start3A_49 = arith.constant 0 : i32
      %dma_start3A_50 = tpu.memref_slice %arg6[%add3A_10, %dma_start3A_49] : memref<10240x16xf32, #tpu.memory_space<vmem_shared>> -> memref<128x16xf32, #tpu.memory_space<vmem_shared>>
      tpu.enqueue_dma source(%arg5 : memref<128x16xf32, #tpu.memory_space<vmem>>) target(%dma_start3A_50 : memref<128x16xf32, #tpu.memory_space<vmem_shared>>) target_semaphore(%run_scoped3A : memref<!tpu.dma_semaphore, #tpu.memory_space<semaphore_mem>>)
      %dma_wait3A = arith.constant 0 : i32
      %dma_wait3A_51 = tpu.memref_slice %arg6[%add3A_10, %dma_wait3A] : memref<10240x16xf32, #tpu.memory_space<vmem_shared>> -> memref<128x16xf32, #tpu.memory_space<vmem_shared>>
      %dma_wait3A_52 = arith.constant 0 : i32
      %dma_wait3A_53 = tpu.memref_slice %arg6[%add3A_10, %dma_wait3A_52] : memref<10240x16xf32, #tpu.memory_space<vmem_shared>> -> memref<128x16xf32, #tpu.memory_space<vmem_shared>>
      tpu.wait_dma2 semaphore(%run_scoped3A : memref<!tpu.dma_semaphore, #tpu.memory_space<semaphore_mem>>) src(%arg5 : memref<128x16xf32, #tpu.memory_space<vmem>>) dst(%dma_wait3A_53 : memref<128x16xf32, #tpu.memory_space<vmem_shared>>)
      tpu.yield
    }) : () -> ()
    %mul3A_11 = arith.constant 640 : i32
    %mul3A_12 = arith.muli %arg1, %mul3A_11 : i32
    %add3A_13 = arith.constant 128 : i32
    %add3A_14 = arith.addi %mul3A_12, %add3A_13 : i32
    "tpu.region"() ({
      %run_scoped3A = tpu.sem_alloc : memref<!tpu.dma_semaphore, #tpu.memory_space<semaphore_mem>>
      %dma_start3A = arith.constant 0 : i32
      %dma_start3A_48 = tpu.memref_slice %arg6[%add3A_14, %dma_start3A] : memref<10240x16xf32, #tpu.memory_space<vmem_shared>> -> memref<128x16xf32, #tpu.memory_space<vmem_shared>>
      %dma_start3A_49 = arith.constant 0 : i32
      %dma_start3A_50 = tpu.memref_slice %arg6[%add3A_14, %dma_start3A_49] : memref<10240x16xf32, #tpu.memory_space<vmem_shared>> -> memref<128x16xf32, #tpu.memory_space<vmem_shared>>
      tpu.enqueue_dma source(%arg5 : memref<128x16xf32, #tpu.memory_space<vmem>>) target(%dma_start3A_50 : memref<128x16xf32, #tpu.memory_space<vmem_shared>>) target_semaphore(%run_scoped3A : memref<!tpu.dma_semaphore, #tpu.memory_space<semaphore_mem>>)
      %dma_wait3A = arith.constant 0 : i32
      %dma_wait3A_51 = tpu.memref_slice %arg6[%add3A_14, %dma_wait3A] : memref<10240x16xf32, #tpu.memory_space<vmem_shared>> -> memref<128x16xf32, #tpu.memory_space<vmem_shared>>
      %dma_wait3A_52 = arith.constant 0 : i32
      %dma_wait3A_53 = tpu.memref_slice %arg6[%add3A_14, %dma_wait3A_52] : memref<10240x16xf32, #tpu.memory_space<vmem_shared>> -> memref<128x16xf32, #tpu.memory_space<vmem_shared>>
      tpu.wait_dma2 semaphore(%run_scoped3A : memref<!tpu.dma_semaphore, #tpu.memory_space<semaphore_mem>>) src(%arg5 : memref<128x16xf32, #tpu.memory_space<vmem>>) dst(%dma_wait3A_53 : memref<128x16xf32, #tpu.memory_space<vmem_shared>>)
      tpu.yield
    }) : () -> ()
    %mul3A_15 = arith.constant 640 : i32
    %mul3A_16 = arith.muli %arg1, %mul3A_15 : i32
    %add3A_17 = arith.constant 256 : i32
    %add3A_18 = arith.addi %mul3A_16, %add3A_17 : i32
    "tpu.region"() ({
      %run_scoped3A = tpu.sem_alloc : memref<!tpu.dma_semaphore, #tpu.memory_space<semaphore_mem>>
      %dma_start3A = arith.constant 0 : i32
      %dma_start3A_48 = tpu.memref_slice %arg6[%add3A_18, %dma_start3A] : memref<10240x16xf32, #tpu.memory_space<vmem_shared>> -> memref<128x16xf32, #tpu.memory_space<vmem_shared>>
      %dma_start3A_49 = arith.constant 0 : i32
      %dma_start3A_50 = tpu.memref_slice %arg6[%add3A_18, %dma_start3A_49] : memref<10240x16xf32, #tpu.memory_space<vmem_shared>> -> memref<128x16xf32, #tpu.memory_space<vmem_shared>>
      tpu.enqueue_dma source(%arg5 : memref<128x16xf32, #tpu.memory_space<vmem>>) target(%dma_start3A_50 : memref<128x16xf32, #tpu.memory_space<vmem_shared>>) target_semaphore(%run_scoped3A : memref<!tpu.dma_semaphore, #tpu.memory_space<semaphore_mem>>)
      %dma_wait3A = arith.constant 0 : i32
      %dma_wait3A_51 = tpu.memref_slice %arg6[%add3A_18, %dma_wait3A] : memref<10240x16xf32, #tpu.memory_space<vmem_shared>> -> memref<128x16xf32, #tpu.memory_space<vmem_shared>>
      %dma_wait3A_52 = arith.constant 0 : i32
      %dma_wait3A_53 = tpu.memref_slice %arg6[%add3A_18, %dma_wait3A_52] : memref<10240x16xf32, #tpu.memory_space<vmem_shared>> -> memref<128x16xf32, #tpu.memory_space<vmem_shared>>
      tpu.wait_dma2 semaphore(%run_scoped3A : memref<!tpu.dma_semaphore, #tpu.memory_space<semaphore_mem>>) src(%arg5 : memref<128x16xf32, #tpu.memory_space<vmem>>) dst(%dma_wait3A_53 : memref<128x16xf32, #tpu.memory_space<vmem_shared>>)
      tpu.yield
    }) : () -> ()
    %mul3A_19 = arith.constant 640 : i32
    %mul3A_20 = arith.muli %arg1, %mul3A_19 : i32
    %add3A_21 = arith.constant 384 : i32
    %add3A_22 = arith.addi %mul3A_20, %add3A_21 : i32
    "tpu.region"() ({
      %run_scoped3A = tpu.sem_alloc : memref<!tpu.dma_semaphore, #tpu.memory_space<semaphore_mem>>
      %dma_start3A = arith.constant 0 : i32
      %dma_start3A_48 = tpu.memref_slice %arg6[%add3A_22, %dma_start3A] : memref<10240x16xf32, #tpu.memory_space<vmem_shared>> -> memref<128x16xf32, #tpu.memory_space<vmem_shared>>
      %dma_start3A_49 = arith.constant 0 : i32
      %dma_start3A_50 = tpu.memref_slice %arg6[%add3A_22, %dma_start3A_49] : memref<10240x16xf32, #tpu.memory_space<vmem_shared>> -> memref<128x16xf32, #tpu.memory_space<vmem_shared>>
      tpu.enqueue_dma source(%arg5 : memref<128x16xf32, #tpu.memory_space<vmem>>) target(%dma_start3A_50 : memref<128x16xf32, #tpu.memory_space<vmem_shared>>) target_semaphore(%run_scoped3A : memref<!tpu.dma_semaphore, #tpu.memory_space<semaphore_mem>>)
      %dma_wait3A = arith.constant 0 : i32
      %dma_wait3A_51 = tpu.memref_slice %arg6[%add3A_22, %dma_wait3A] : memref<10240x16xf32, #tpu.memory_space<vmem_shared>> -> memref<128x16xf32, #tpu.memory_space<vmem_shared>>
      %dma_wait3A_52 = arith.constant 0 : i32
      %dma_wait3A_53 = tpu.memref_slice %arg6[%add3A_22, %dma_wait3A_52] : memref<10240x16xf32, #tpu.memory_space<vmem_shared>> -> memref<128x16xf32, #tpu.memory_space<vmem_shared>>
      tpu.wait_dma2 semaphore(%run_scoped3A : memref<!tpu.dma_semaphore, #tpu.memory_space<semaphore_mem>>) src(%arg5 : memref<128x16xf32, #tpu.memory_space<vmem>>) dst(%dma_wait3A_53 : memref<128x16xf32, #tpu.memory_space<vmem_shared>>)
      tpu.yield
    }) : () -> ()
    %mul3A_23 = arith.constant 640 : i32
    %mul3A_24 = arith.muli %arg1, %mul3A_23 : i32
    %add3A_25 = arith.constant 512 : i32
    %add3A_26 = arith.addi %mul3A_24, %add3A_25 : i32
    "tpu.region"() ({
      %run_scoped3A = tpu.sem_alloc : memref<!tpu.dma_semaphore, #tpu.memory_space<semaphore_mem>>
      %dma_start3A = arith.constant 0 : i32
      %dma_start3A_48 = tpu.memref_slice %arg6[%add3A_26, %dma_start3A] : memref<10240x16xf32, #tpu.memory_space<vmem_shared>> -> memref<128x16xf32, #tpu.memory_space<vmem_shared>>
      %dma_start3A_49 = arith.constant 0 : i32
      %dma_start3A_50 = tpu.memref_slice %arg6[%add3A_26, %dma_start3A_49] : memref<10240x16xf32, #tpu.memory_space<vmem_shared>> -> memref<128x16xf32, #tpu.memory_space<vmem_shared>>
      tpu.enqueue_dma source(%arg5 : memref<128x16xf32, #tpu.memory_space<vmem>>) target(%dma_start3A_50 : memref<128x16xf32, #tpu.memory_space<vmem_shared>>) target_semaphore(%run_scoped3A : memref<!tpu.dma_semaphore, #tpu.memory_space<semaphore_mem>>)
      %dma_wait3A = arith.constant 0 : i32
      %dma_wait3A_51 = tpu.memref_slice %arg6[%add3A_26, %dma_wait3A] : memref<10240x16xf32, #tpu.memory_space<vmem_shared>> -> memref<128x16xf32, #tpu.memory_space<vmem_shared>>
      %dma_wait3A_52 = arith.constant 0 : i32
      %dma_wait3A_53 = tpu.memref_slice %arg6[%add3A_26, %dma_wait3A_52] : memref<10240x16xf32, #tpu.memory_space<vmem_shared>> -> memref<128x16xf32, #tpu.memory_space<vmem_shared>>
      tpu.wait_dma2 semaphore(%run_scoped3A : memref<!tpu.dma_semaphore, #tpu.memory_space<semaphore_mem>>) src(%arg5 : memref<128x16xf32, #tpu.memory_space<vmem>>) dst(%dma_wait3A_53 : memref<128x16xf32, #tpu.memory_space<vmem_shared>>)
      tpu.yield
    }) : () -> ()
    %scan3A_27 = arith.constant 0 : i32
    %scan3A_28 = arith.constant 0 : i32
    %scan3A_29 = arith.constant 128 : i32
    %scan3A_30 = arith.addi %scan3A_28, %scan3A_29 : i32
    %scan3A_31 = arith.constant 1 : i32
    %scan3A_32 = scf.for %scan3A_48 = %scan3A_28 to %scan3A_30 step %scan3A_31 iter_args(%scan3A_49 = %scan3A_27) -> (i32)  : i32 {
      %broadcast_in_dim3A = arith.constant 1.000000e+00 : f32
      %broadcast_in_dim3A_50 = vector.broadcast %broadcast_in_dim3A : f32 to vector<16xf32>
      %swap3A = arith.index_cast %scan3A_48 : i32 to index
      %swap3A_51 = arith.constant 0 : index
      %swap3A_52 = tpu.vector_load %arg5[%swap3A, %swap3A_51] {strides = array<i32>} : memref<128x16xf32, #tpu.memory_space<vmem>>, vector<1x16xf32>,
      %swap3A_53 = vector.shape_cast %swap3A_52 : vector<1x16xf32> to vector<16xf32>
      %swap3A_54 = vector.shape_cast %broadcast_in_dim3A_50 : vector<16xf32> to vector<1x16xf32>
      tpu.vector_store %arg5[%swap3A, %swap3A_51], %swap3A_54 {strides = array<i32>} : memref<128x16xf32, #tpu.memory_space<vmem>>, vector<1x16xf32>,
      %scan3A_55 = arith.constant 0 : i32
      scf.yield %scan3A_55 : i32
    }
    %scan3A_33 = arith.constant 128 : i32
    %mul3A_34 = arith.constant 80 : i32
    %mul3A_35 = arith.muli %add3A, %mul3A_34 : i32
    "tpu.region"() ({
      %run_scoped3A = tpu.sem_alloc : memref<!tpu.dma_semaphore, #tpu.memory_space<semaphore_mem>>
      %dma_start3A = arith.constant 0 : i32
      %dma_start3A_48 = tpu.memref_slice %arg2[%mul3A_35, %dma_start3A] : memref<2560x128xi32, #tpu.memory_space<hbm>> -> memref<80x128xi32, #tpu.memory_space<hbm>>
      %dma_start3A_49 = arith.constant 0 : i32
      %dma_start3A_50 = tpu.memref_slice %arg2[%mul3A_35, %dma_start3A_49] : memref<2560x128xi32, #tpu.memory_space<hbm>> -> memref<80x128xi32, #tpu.memory_space<hbm>>
      tpu.enqueue_dma source(%dma_start3A_50 : memref<80x128xi32, #tpu.memory_space<hbm>>) target(%arg4 : memref<80x128xi32, #tpu.memory_space<vmem>>) target_semaphore(%run_scoped3A : memref<!tpu.dma_semaphore, #tpu.memory_space<semaphore_mem>>)
      %dma_wait3A = arith.constant 0 : i32
      %dma_wait3A_51 = tpu.memref_slice %arg2[%mul3A_35, %dma_wait3A] : memref<2560x128xi32, #tpu.memory_space<hbm>> -> memref<80x128xi32, #tpu.memory_space<hbm>>
      %dma_wait3A_52 = arith.constant 0 : i32
      %dma_wait3A_53 = tpu.memref_slice %arg2[%mul3A_35, %dma_wait3A_52] : memref<2560x128xi32, #tpu.memory_space<hbm>> -> memref<80x128xi32, #tpu.memory_space<hbm>>
      tpu.wait_dma2 semaphore(%run_scoped3A : memref<!tpu.dma_semaphore, #tpu.memory_space<semaphore_mem>>) src(%dma_wait3A_53 : memref<80x128xi32, #tpu.memory_space<hbm>>) dst(%arg4 : memref<80x128xi32, #tpu.memory_space<vmem>>)
      tpu.yield
    }) : () -> ()
    %barrier3A = arith.constant 0 : index
    tpu.barrier barrier_id(%barrier3A)
    %scan3A_36 = arith.constant 0 : i32
    %scan3A_37 = arith.constant 0 : i32
    %scan3A_38 = arith.constant 80 : i32
    %scan3A_39 = arith.addi %scan3A_37, %scan3A_38 : i32
    %scan3A_40 = arith.constant 1 : i32
    %scan3A_41 = scf.for %scan3A_48 = %scan3A_37 to %scan3A_39 step %scan3A_40 iter_args(%scan3A_49 = %scan3A_36) -> (i32)  : i32 {
      "tpu.region"() ({
        %run_scoped3A = tpu.sem_alloc : memref<!tpu.dma_semaphore, #tpu.memory_space<semaphore_mem>>
        %dma_start3A = arith.constant 0 : i32
        %dma_start3A_51 = tpu.memref_slice %arg4[%scan3A_48, %dma_start3A] : memref<80x128xi32, #tpu.memory_space<vmem>> -> memref<1x128xi32, #tpu.memory_space<vmem>>
        %dma_start3A_52 = tpu.memref_squeeze %dma_start3A_51 : memref<1x128xi32, #tpu.memory_space<vmem>> -> memref<128xi32, #tpu.memory_space<vmem>>
        %dma_start3A_53 = arith.constant 0 : i32
        %dma_start3A_54 = arith.constant 0 : i32
        %dma_start3A_55 = tpu.memref_slice %arg6[%dma_start3A_53, %dma_start3A_54] : memref<10240x16xf32, #tpu.memory_space<vmem_shared>> -> memref<10240x16xf32, #tpu.memory_space<vmem_shared>>
        tpu.enqueue_indirect_dma source(%arg5 : memref<128x16xf32, #tpu.memory_space<vmem>>) target(%dma_start3A_55 : memref<10240x16xf32, #tpu.memory_space<vmem_shared>>) offsets(%dma_start3A_52 : memref<128xi32, #tpu.memory_space<vmem>>) semaphore(%run_scoped3A : memref<!tpu.dma_semaphore, #tpu.memory_space<semaphore_mem>>) {add = true}
        %dma_wait3A = arith.constant 0 : i32
        %dma_wait3A_56 = tpu.memref_slice %arg4[%scan3A_48, %dma_wait3A] : memref<80x128xi32, #tpu.memory_space<vmem>> -> memref<1x128xi32, #tpu.memory_space<vmem>>
        %dma_wait3A_57 = tpu.memref_squeeze %dma_wait3A_56 : memref<1x128xi32, #tpu.memory_space<vmem>> -> memref<128xi32, #tpu.memory_space<vmem>>
        %dma_wait3A_58 = arith.constant 0 : i32
        %dma_wait3A_59 = arith.constant 0 : i32
        %dma_wait3A_60 = tpu.memref_slice %arg6[%dma_wait3A_58, %dma_wait3A_59] : memref<10240x16xf32, #tpu.memory_space<vmem_shared>> -> memref<10240x16xf32, #tpu.memory_space<vmem_shared>>
        tpu.wait_indirect_dma semaphore(%run_scoped3A : memref<!tpu.dma_semaphore, #tpu.memory_space<semaphore_mem>>) src(%arg5 : memref<128x16xf32, #tpu.memory_space<vmem>>) dst(%dma_wait3A_60 : memref<10240x16xf32, #tpu.memory_space<vmem_shared>>)
        tpu.yield
      }) : () -> ()
      %scan3A_50 = arith.constant 0 : i32
      scf.yield %scan3A_50 : i32
    }
    %scan3A_42 = arith.constant 80 : i32
    %barrier3A_43 = arith.constant 0 : index
    tpu.barrier barrier_id(%barrier3A_43)
    %mul3A_44 = arith.constant 640 : i32
    %mul3A_45 = arith.muli %arg1, %mul3A_44 : i32
    %mul3A_46 = arith.constant 640 : i32
    %mul3A_47 = arith.muli %arg1, %mul3A_46 : i32
    "tpu.region"() ({
      %run_scoped3A = tpu.sem_alloc : memref<!tpu.dma_semaphore, #tpu.memory_space<semaphore_mem>>
      %dma_start3A = arith.constant 0 : i32
      %dma_start3A_48 = tpu.memref_slice %arg3[%arg0, %mul3A_47, %dma_start3A] : memref<2x10240x16xf32, #tpu.memory_space<hbm>> -> memref<1x640x16xf32, #tpu.memory_space<hbm>>
      %dma_start3A_49 = tpu.memref_squeeze %dma_start3A_48 : memref<1x640x16xf32, #tpu.memory_space<hbm>> -> memref<640x16xf32, #tpu.memory_space<hbm>>
      %dma_start3A_50 = arith.constant 0 : i32
      %dma_start3A_51 = tpu.memref_slice %arg6[%mul3A_45, %dma_start3A_50] : memref<10240x16xf32, #tpu.memory_space<vmem_shared>> -> memref<640x16xf32, #tpu.memory_space<vmem_shared>>
      tpu.enqueue_dma source(%dma_start3A_51 : memref<640x16xf32, #tpu.memory_space<vmem_shared>>) target(%dma_start3A_49 : memref<640x16xf32, #tpu.memory_space<hbm>>) target_semaphore(%run_scoped3A : memref<!tpu.dma_semaphore, #tpu.memory_space<semaphore_mem>>)
      %dma_wait3A = arith.constant 0 : i32
      %dma_wait3A_52 = tpu.memref_slice %arg3[%arg0, %mul3A_47, %dma_wait3A] : memref<2x10240x16xf32, #tpu.memory_space<hbm>> -> memref<1x640x16xf32, #tpu.memory_space<hbm>>
      %dma_wait3A_53 = tpu.memref_squeeze %dma_wait3A_52 : memref<1x640x16xf32, #tpu.memory_space<hbm>> -> memref<640x16xf32, #tpu.memory_space<hbm>>
      %dma_wait3A_54 = arith.constant 0 : i32
      %dma_wait3A_55 = tpu.memref_slice %arg6[%mul3A_45, %dma_wait3A_54] : memref<10240x16xf32, #tpu.memory_space<vmem_shared>> -> memref<640x16xf32, #tpu.memory_space<vmem_shared>>
      tpu.wait_dma2 semaphore(%run_scoped3A : memref<!tpu.dma_semaphore, #tpu.memory_space<semaphore_mem>>) src(%dma_wait3A_55 : memref<640x16xf32, #tpu.memory_space<vmem_shared>>) dst(%dma_wait3A_53 : memref<640x16xf32, #tpu.memory_space<hbm>>)
      tpu.yield
    }) : () -> ()
    return
  }
}

#map = affine_map<(d0, d1) -> (0, 0)>
#map1 = affine_map<(d0, d1) -> (0, 0, 0)>
module attributes {stable_mosaic.version = 14 : i64} {
  func.func @_agg(%arg0: i32, %arg1: i32, %arg2: memref<10240x64xbf16, #tpu.memory_space<hbm>>, %arg3: memref<2560x128xi32, #tpu.memory_space<hbm>>, %arg4: memref<2560x128xi32, #tpu.memory_space<hbm>>, %arg5: memref<2x10240x64xbf16, #tpu.memory_space<hbm>>, %arg6: memref<40x128xi32, #tpu.memory_space<vmem>>, %arg7: memref<40x128xi32, #tpu.memory_space<vmem>>, %arg8: memref<128x64xbf16, #tpu.memory_space<vmem>>, %arg9: memref<128x64xbf16, #tpu.memory_space<vmem>>, %arg10: memref<!tpu.dma_semaphore, #tpu.memory_space<semaphore_mem>>, %arg11: memref<!tpu.dma_semaphore, #tpu.memory_space<semaphore_mem>>, %arg12: memref<10240x64xbf16, #tpu.memory_space<vmem_shared>>) attributes {dimension_semantics = [#tpu.dimension_semantics<core_parallel>, #tpu.dimension_semantics<subcore_parallel>], iteration_bounds = array<i64: 2, 16>, scalar_prefetch = 0 : i64, scratch_operands = 7 : i64, tpu.core_type = #tpu.core_type<sc_vector_subcore>, window_params = [{transform_indices = #map}, {transform_indices = #map}, {transform_indices = #map}, {transform_indices = #map1}]} {
    %mul3A = arith.constant 2 : i32
    %mul3A_0 = arith.muli %arg1, %mul3A : i32
    %add3A = arith.addi %mul3A_0, %arg0 : i32
    %scan3A = arith.constant 0 : i32
    %scan3A_1 = arith.constant 0 : i32
    %scan3A_2 = arith.constant 128 : i32
    %scan3A_3 = arith.addi %scan3A_1, %scan3A_2 : i32
    %scan3A_4 = arith.constant 1 : i32
    %scan3A_5 = scf.for %scan3A_67 = %scan3A_1 to %scan3A_3 step %scan3A_4 iter_args(%scan3A_68 = %scan3A) -> (i32)  : i32 {
      %broadcast_in_dim3A = arith.constant 0.000000e+00 : bf16
      %broadcast_in_dim3A_69 = vector.broadcast %broadcast_in_dim3A : bf16 to vector<32xbf16>
      %swap3A = arith.index_cast %scan3A_67 : i32 to index
      %swap3A_70 = arith.constant 0 : index
      %swap3A_71 = tpu.vector_load %arg8[%swap3A, %swap3A_70] {strides = array<i32>} : memref<128x64xbf16, #tpu.memory_space<vmem>>, vector<1x32xbf16>,
      %swap3A_72 = vector.shape_cast %swap3A_71 : vector<1x32xbf16> to vector<32xbf16>
      %swap3A_73 = vector.shape_cast %broadcast_in_dim3A_69 : vector<32xbf16> to vector<1x32xbf16>
      tpu.vector_store %arg8[%swap3A, %swap3A_70], %swap3A_73 {strides = array<i32>} : memref<128x64xbf16, #tpu.memory_space<vmem>>, vector<1x32xbf16>,
      %broadcast_in_dim3A_74 = arith.constant 0.000000e+00 : bf16
      %broadcast_in_dim3A_75 = vector.broadcast %broadcast_in_dim3A_74 : bf16 to vector<32xbf16>
      %swap3A_76 = arith.index_cast %scan3A_67 : i32 to index
      %swap3A_77 = arith.constant 32 : index
      %swap3A_78 = tpu.vector_load %arg8[%swap3A_76, %swap3A_77] {strides = array<i32>} : memref<128x64xbf16, #tpu.memory_space<vmem>>, vector<1x32xbf16>,
      %swap3A_79 = vector.shape_cast %swap3A_78 : vector<1x32xbf16> to vector<32xbf16>
      %swap3A_80 = vector.shape_cast %broadcast_in_dim3A_75 : vector<32xbf16> to vector<1x32xbf16>
      tpu.vector_store %arg8[%swap3A_76, %swap3A_77], %swap3A_80 {strides = array<i32>} : memref<128x64xbf16, #tpu.memory_space<vmem>>, vector<1x32xbf16>,
      %scan3A_81 = arith.constant 0 : i32
      scf.yield %scan3A_81 : i32
    }
    %scan3A_6 = arith.constant 128 : i32
    %mul3A_7 = arith.constant 640 : i32
    %mul3A_8 = arith.muli %arg1, %mul3A_7 : i32
    %add3A_9 = arith.constant 0 : i32
    %add3A_10 = arith.addi %mul3A_8, %add3A_9 : i32
    "tpu.region"() ({
      %run_scoped3A = tpu.sem_alloc : memref<!tpu.dma_semaphore, #tpu.memory_space<semaphore_mem>>
      %dma_start3A_67 = arith.constant 0 : i32
      %dma_start3A_68 = tpu.memref_slice %arg12[%add3A_10, %dma_start3A_67] : memref<10240x64xbf16, #tpu.memory_space<vmem_shared>> -> memref<128x64xbf16, #tpu.memory_space<vmem_shared>>
      %dma_start3A_69 = arith.constant 0 : i32
      %dma_start3A_70 = tpu.memref_slice %arg12[%add3A_10, %dma_start3A_69] : memref<10240x64xbf16, #tpu.memory_space<vmem_shared>> -> memref<128x64xbf16, #tpu.memory_space<vmem_shared>>
      tpu.enqueue_dma source(%arg8 : memref<128x64xbf16, #tpu.memory_space<vmem>>) target(%dma_start3A_70 : memref<128x64xbf16, #tpu.memory_space<vmem_shared>>) target_semaphore(%run_scoped3A : memref<!tpu.dma_semaphore, #tpu.memory_space<semaphore_mem>>)
      %dma_wait3A = arith.constant 0 : i32
      %dma_wait3A_71 = tpu.memref_slice %arg12[%add3A_10, %dma_wait3A] : memref<10240x64xbf16, #tpu.memory_space<vmem_shared>> -> memref<128x64xbf16, #tpu.memory_space<vmem_shared>>
      %dma_wait3A_72 = arith.constant 0 : i32
      %dma_wait3A_73 = tpu.memref_slice %arg12[%add3A_10, %dma_wait3A_72] : memref<10240x64xbf16, #tpu.memory_space<vmem_shared>> -> memref<128x64xbf16, #tpu.memory_space<vmem_shared>>
      tpu.wait_dma2 semaphore(%run_scoped3A : memref<!tpu.dma_semaphore, #tpu.memory_space<semaphore_mem>>) src(%arg8 : memref<128x64xbf16, #tpu.memory_space<vmem>>) dst(%dma_wait3A_73 : memref<128x64xbf16, #tpu.memory_space<vmem_shared>>)
      tpu.yield
    }) : () -> ()
    %mul3A_11 = arith.constant 640 : i32
    %mul3A_12 = arith.muli %arg1, %mul3A_11 : i32
    %add3A_13 = arith.constant 128 : i32
    %add3A_14 = arith.addi %mul3A_12, %add3A_13 : i32
    "tpu.region"() ({
      %run_scoped3A = tpu.sem_alloc : memref<!tpu.dma_semaphore, #tpu.memory_space<semaphore_mem>>
      %dma_start3A_67 = arith.constant 0 : i32
      %dma_start3A_68 = tpu.memref_slice %arg12[%add3A_14, %dma_start3A_67] : memref<10240x64xbf16, #tpu.memory_space<vmem_shared>> -> memref<128x64xbf16, #tpu.memory_space<vmem_shared>>
      %dma_start3A_69 = arith.constant 0 : i32
      %dma_start3A_70 = tpu.memref_slice %arg12[%add3A_14, %dma_start3A_69] : memref<10240x64xbf16, #tpu.memory_space<vmem_shared>> -> memref<128x64xbf16, #tpu.memory_space<vmem_shared>>
      tpu.enqueue_dma source(%arg8 : memref<128x64xbf16, #tpu.memory_space<vmem>>) target(%dma_start3A_70 : memref<128x64xbf16, #tpu.memory_space<vmem_shared>>) target_semaphore(%run_scoped3A : memref<!tpu.dma_semaphore, #tpu.memory_space<semaphore_mem>>)
      %dma_wait3A = arith.constant 0 : i32
      %dma_wait3A_71 = tpu.memref_slice %arg12[%add3A_14, %dma_wait3A] : memref<10240x64xbf16, #tpu.memory_space<vmem_shared>> -> memref<128x64xbf16, #tpu.memory_space<vmem_shared>>
      %dma_wait3A_72 = arith.constant 0 : i32
      %dma_wait3A_73 = tpu.memref_slice %arg12[%add3A_14, %dma_wait3A_72] : memref<10240x64xbf16, #tpu.memory_space<vmem_shared>> -> memref<128x64xbf16, #tpu.memory_space<vmem_shared>>
      tpu.wait_dma2 semaphore(%run_scoped3A : memref<!tpu.dma_semaphore, #tpu.memory_space<semaphore_mem>>) src(%arg8 : memref<128x64xbf16, #tpu.memory_space<vmem>>) dst(%dma_wait3A_73 : memref<128x64xbf16, #tpu.memory_space<vmem_shared>>)
      tpu.yield
    }) : () -> ()
    %mul3A_15 = arith.constant 640 : i32
    %mul3A_16 = arith.muli %arg1, %mul3A_15 : i32
    %add3A_17 = arith.constant 256 : i32
    %add3A_18 = arith.addi %mul3A_16, %add3A_17 : i32
    "tpu.region"() ({
      %run_scoped3A = tpu.sem_alloc : memref<!tpu.dma_semaphore, #tpu.memory_space<semaphore_mem>>
      %dma_start3A_67 = arith.constant 0 : i32
      %dma_start3A_68 = tpu.memref_slice %arg12[%add3A_18, %dma_start3A_67] : memref<10240x64xbf16, #tpu.memory_space<vmem_shared>> -> memref<128x64xbf16, #tpu.memory_space<vmem_shared>>
      %dma_start3A_69 = arith.constant 0 : i32
      %dma_start3A_70 = tpu.memref_slice %arg12[%add3A_18, %dma_start3A_69] : memref<10240x64xbf16, #tpu.memory_space<vmem_shared>> -> memref<128x64xbf16, #tpu.memory_space<vmem_shared>>
      tpu.enqueue_dma source(%arg8 : memref<128x64xbf16, #tpu.memory_space<vmem>>) target(%dma_start3A_70 : memref<128x64xbf16, #tpu.memory_space<vmem_shared>>) target_semaphore(%run_scoped3A : memref<!tpu.dma_semaphore, #tpu.memory_space<semaphore_mem>>)
      %dma_wait3A = arith.constant 0 : i32
      %dma_wait3A_71 = tpu.memref_slice %arg12[%add3A_18, %dma_wait3A] : memref<10240x64xbf16, #tpu.memory_space<vmem_shared>> -> memref<128x64xbf16, #tpu.memory_space<vmem_shared>>
      %dma_wait3A_72 = arith.constant 0 : i32
      %dma_wait3A_73 = tpu.memref_slice %arg12[%add3A_18, %dma_wait3A_72] : memref<10240x64xbf16, #tpu.memory_space<vmem_shared>> -> memref<128x64xbf16, #tpu.memory_space<vmem_shared>>
      tpu.wait_dma2 semaphore(%run_scoped3A : memref<!tpu.dma_semaphore, #tpu.memory_space<semaphore_mem>>) src(%arg8 : memref<128x64xbf16, #tpu.memory_space<vmem>>) dst(%dma_wait3A_73 : memref<128x64xbf16, #tpu.memory_space<vmem_shared>>)
      tpu.yield
    }) : () -> ()
    %mul3A_19 = arith.constant 640 : i32
    %mul3A_20 = arith.muli %arg1, %mul3A_19 : i32
    %add3A_21 = arith.constant 384 : i32
    %add3A_22 = arith.addi %mul3A_20, %add3A_21 : i32
    "tpu.region"() ({
      %run_scoped3A = tpu.sem_alloc : memref<!tpu.dma_semaphore, #tpu.memory_space<semaphore_mem>>
      %dma_start3A_67 = arith.constant 0 : i32
      %dma_start3A_68 = tpu.memref_slice %arg12[%add3A_22, %dma_start3A_67] : memref<10240x64xbf16, #tpu.memory_space<vmem_shared>> -> memref<128x64xbf16, #tpu.memory_space<vmem_shared>>
      %dma_start3A_69 = arith.constant 0 : i32
      %dma_start3A_70 = tpu.memref_slice %arg12[%add3A_22, %dma_start3A_69] : memref<10240x64xbf16, #tpu.memory_space<vmem_shared>> -> memref<128x64xbf16, #tpu.memory_space<vmem_shared>>
      tpu.enqueue_dma source(%arg8 : memref<128x64xbf16, #tpu.memory_space<vmem>>) target(%dma_start3A_70 : memref<128x64xbf16, #tpu.memory_space<vmem_shared>>) target_semaphore(%run_scoped3A : memref<!tpu.dma_semaphore, #tpu.memory_space<semaphore_mem>>)
      %dma_wait3A = arith.constant 0 : i32
      %dma_wait3A_71 = tpu.memref_slice %arg12[%add3A_22, %dma_wait3A] : memref<10240x64xbf16, #tpu.memory_space<vmem_shared>> -> memref<128x64xbf16, #tpu.memory_space<vmem_shared>>
      %dma_wait3A_72 = arith.constant 0 : i32
      %dma_wait3A_73 = tpu.memref_slice %arg12[%add3A_22, %dma_wait3A_72] : memref<10240x64xbf16, #tpu.memory_space<vmem_shared>> -> memref<128x64xbf16, #tpu.memory_space<vmem_shared>>
      tpu.wait_dma2 semaphore(%run_scoped3A : memref<!tpu.dma_semaphore, #tpu.memory_space<semaphore_mem>>) src(%arg8 : memref<128x64xbf16, #tpu.memory_space<vmem>>) dst(%dma_wait3A_73 : memref<128x64xbf16, #tpu.memory_space<vmem_shared>>)
      tpu.yield
    }) : () -> ()
    %mul3A_23 = arith.constant 640 : i32
    %mul3A_24 = arith.muli %arg1, %mul3A_23 : i32
    %add3A_25 = arith.constant 512 : i32
    %add3A_26 = arith.addi %mul3A_24, %add3A_25 : i32
    "tpu.region"() ({
      %run_scoped3A = tpu.sem_alloc : memref<!tpu.dma_semaphore, #tpu.memory_space<semaphore_mem>>
      %dma_start3A_67 = arith.constant 0 : i32
      %dma_start3A_68 = tpu.memref_slice %arg12[%add3A_26, %dma_start3A_67] : memref<10240x64xbf16, #tpu.memory_space<vmem_shared>> -> memref<128x64xbf16, #tpu.memory_space<vmem_shared>>
      %dma_start3A_69 = arith.constant 0 : i32
      %dma_start3A_70 = tpu.memref_slice %arg12[%add3A_26, %dma_start3A_69] : memref<10240x64xbf16, #tpu.memory_space<vmem_shared>> -> memref<128x64xbf16, #tpu.memory_space<vmem_shared>>
      tpu.enqueue_dma source(%arg8 : memref<128x64xbf16, #tpu.memory_space<vmem>>) target(%dma_start3A_70 : memref<128x64xbf16, #tpu.memory_space<vmem_shared>>) target_semaphore(%run_scoped3A : memref<!tpu.dma_semaphore, #tpu.memory_space<semaphore_mem>>)
      %dma_wait3A = arith.constant 0 : i32
      %dma_wait3A_71 = tpu.memref_slice %arg12[%add3A_26, %dma_wait3A] : memref<10240x64xbf16, #tpu.memory_space<vmem_shared>> -> memref<128x64xbf16, #tpu.memory_space<vmem_shared>>
      %dma_wait3A_72 = arith.constant 0 : i32
      %dma_wait3A_73 = tpu.memref_slice %arg12[%add3A_26, %dma_wait3A_72] : memref<10240x64xbf16, #tpu.memory_space<vmem_shared>> -> memref<128x64xbf16, #tpu.memory_space<vmem_shared>>
      tpu.wait_dma2 semaphore(%run_scoped3A : memref<!tpu.dma_semaphore, #tpu.memory_space<semaphore_mem>>) src(%arg8 : memref<128x64xbf16, #tpu.memory_space<vmem>>) dst(%dma_wait3A_73 : memref<128x64xbf16, #tpu.memory_space<vmem_shared>>)
      tpu.yield
    }) : () -> ()
    %barrier3A = arith.constant 0 : index
    tpu.barrier barrier_id(%barrier3A)
    %mul3A_27 = arith.constant 80 : i32
    %mul3A_28 = arith.muli %add3A, %mul3A_27 : i32
    %add3A_29 = arith.constant 0 : i32
    %add3A_30 = arith.addi %mul3A_28, %add3A_29 : i32
    "tpu.region"() ({
      %run_scoped3A = tpu.sem_alloc : memref<!tpu.dma_semaphore, #tpu.memory_space<semaphore_mem>>
      %dma_start3A_67 = arith.constant 0 : i32
      %dma_start3A_68 = tpu.memref_slice %arg3[%add3A_30, %dma_start3A_67] : memref<2560x128xi32, #tpu.memory_space<hbm>> -> memref<40x128xi32, #tpu.memory_space<hbm>>
      %dma_start3A_69 = arith.constant 0 : i32
      %dma_start3A_70 = tpu.memref_slice %arg3[%add3A_30, %dma_start3A_69] : memref<2560x128xi32, #tpu.memory_space<hbm>> -> memref<40x128xi32, #tpu.memory_space<hbm>>
      tpu.enqueue_dma source(%dma_start3A_70 : memref<40x128xi32, #tpu.memory_space<hbm>>) target(%arg6 : memref<40x128xi32, #tpu.memory_space<vmem>>) target_semaphore(%run_scoped3A : memref<!tpu.dma_semaphore, #tpu.memory_space<semaphore_mem>>)
      %dma_wait3A = arith.constant 0 : i32
      %dma_wait3A_71 = tpu.memref_slice %arg3[%add3A_30, %dma_wait3A] : memref<2560x128xi32, #tpu.memory_space<hbm>> -> memref<40x128xi32, #tpu.memory_space<hbm>>
      %dma_wait3A_72 = arith.constant 0 : i32
      %dma_wait3A_73 = tpu.memref_slice %arg3[%add3A_30, %dma_wait3A_72] : memref<2560x128xi32, #tpu.memory_space<hbm>> -> memref<40x128xi32, #tpu.memory_space<hbm>>
      tpu.wait_dma2 semaphore(%run_scoped3A : memref<!tpu.dma_semaphore, #tpu.memory_space<semaphore_mem>>) src(%dma_wait3A_73 : memref<40x128xi32, #tpu.memory_space<hbm>>) dst(%arg6 : memref<40x128xi32, #tpu.memory_space<vmem>>)
      tpu.yield
    }) : () -> ()
    "tpu.region"() ({
      %run_scoped3A = tpu.sem_alloc : memref<!tpu.dma_semaphore, #tpu.memory_space<semaphore_mem>>
      %dma_start3A_67 = arith.constant 0 : i32
      %dma_start3A_68 = tpu.memref_slice %arg4[%add3A_30, %dma_start3A_67] : memref<2560x128xi32, #tpu.memory_space<hbm>> -> memref<40x128xi32, #tpu.memory_space<hbm>>
      %dma_start3A_69 = arith.constant 0 : i32
      %dma_start3A_70 = tpu.memref_slice %arg4[%add3A_30, %dma_start3A_69] : memref<2560x128xi32, #tpu.memory_space<hbm>> -> memref<40x128xi32, #tpu.memory_space<hbm>>
      tpu.enqueue_dma source(%dma_start3A_70 : memref<40x128xi32, #tpu.memory_space<hbm>>) target(%arg7 : memref<40x128xi32, #tpu.memory_space<vmem>>) target_semaphore(%run_scoped3A : memref<!tpu.dma_semaphore, #tpu.memory_space<semaphore_mem>>)
      %dma_wait3A = arith.constant 0 : i32
      %dma_wait3A_71 = tpu.memref_slice %arg4[%add3A_30, %dma_wait3A] : memref<2560x128xi32, #tpu.memory_space<hbm>> -> memref<40x128xi32, #tpu.memory_space<hbm>>
      %dma_wait3A_72 = arith.constant 0 : i32
      %dma_wait3A_73 = tpu.memref_slice %arg4[%add3A_30, %dma_wait3A_72] : memref<2560x128xi32, #tpu.memory_space<hbm>> -> memref<40x128xi32, #tpu.memory_space<hbm>>
      tpu.wait_dma2 semaphore(%run_scoped3A : memref<!tpu.dma_semaphore, #tpu.memory_space<semaphore_mem>>) src(%dma_wait3A_73 : memref<40x128xi32, #tpu.memory_space<hbm>>) dst(%arg7 : memref<40x128xi32, #tpu.memory_space<vmem>>)
      tpu.yield
    }) : () -> ()
    %dma_start3A = arith.constant 0 : i32
    %dma_start3A_31 = arith.constant 0 : i32
    %dma_start3A_32 = tpu.memref_slice %arg6[%dma_start3A, %dma_start3A_31] : memref<40x128xi32, #tpu.memory_space<vmem>> -> memref<1x128xi32, #tpu.memory_space<vmem>>
    %dma_start3A_33 = tpu.memref_squeeze %dma_start3A_32 : memref<1x128xi32, #tpu.memory_space<vmem>> -> memref<128xi32, #tpu.memory_space<vmem>>
    %dma_start3A_34 = arith.constant 0 : i32
    %dma_start3A_35 = arith.constant 0 : i32
    %dma_start3A_36 = tpu.memref_slice %arg2[%dma_start3A_34, %dma_start3A_35] : memref<10240x64xbf16, #tpu.memory_space<hbm>> -> memref<10240x64xbf16, #tpu.memory_space<hbm>>
    tpu.enqueue_indirect_dma source(%dma_start3A_36 : memref<10240x64xbf16, #tpu.memory_space<hbm>>) target(%arg8 : memref<128x64xbf16, #tpu.memory_space<vmem>>) offsets(%dma_start3A_33 : memref<128xi32, #tpu.memory_space<vmem>>) semaphore(%arg10 : memref<!tpu.dma_semaphore, #tpu.memory_space<semaphore_mem>>)
    %scan3A_37 = arith.constant 0 : i32
    %scan3A_38 = arith.constant 0 : i32
    %scan3A_39 = arith.constant 20 : i32
    %scan3A_40 = arith.addi %scan3A_38, %scan3A_39 : i32
    %scan3A_41 = arith.constant 1 : i32
    %scan3A_42 = scf.for %scan3A_67 = %scan3A_38 to %scan3A_40 step %scan3A_41 iter_args(%scan3A_68 = %scan3A_37) -> (i32)  : i32 {
      %mul3A_69 = arith.constant 2 : i32
      %mul3A_70 = arith.muli %mul3A_69, %scan3A_67 : i32
      %mul3A_71 = arith.constant 2 : i32
      %mul3A_72 = arith.muli %mul3A_71, %scan3A_67 : i32
      %add3A_73 = arith.constant 1 : i32
      %add3A_74 = arith.addi %mul3A_72, %add3A_73 : i32
      %dma_start3A_75 = arith.constant 0 : i32
      %dma_start3A_76 = tpu.memref_slice %arg6[%add3A_74, %dma_start3A_75] : memref<40x128xi32, #tpu.memory_space<vmem>> -> memref<1x128xi32, #tpu.memory_space<vmem>>
      %dma_start3A_77 = tpu.memref_squeeze %dma_start3A_76 : memref<1x128xi32, #tpu.memory_space<vmem>> -> memref<128xi32, #tpu.memory_space<vmem>>
      %dma_start3A_78 = arith.constant 0 : i32
      %dma_start3A_79 = arith.constant 0 : i32
      %dma_start3A_80 = tpu.memref_slice %arg2[%dma_start3A_78, %dma_start3A_79] : memref<10240x64xbf16, #tpu.memory_space<hbm>> -> memref<10240x64xbf16, #tpu.memory_space<hbm>>
      tpu.enqueue_indirect_dma source(%dma_start3A_80 : memref<10240x64xbf16, #tpu.memory_space<hbm>>) target(%arg9 : memref<128x64xbf16, #tpu.memory_space<vmem>>) offsets(%dma_start3A_77 : memref<128xi32, #tpu.memory_space<vmem>>) semaphore(%arg11 : memref<!tpu.dma_semaphore, #tpu.memory_space<semaphore_mem>>)
      %dma_wait3A = arith.constant 0 : i32
      %dma_wait3A_81 = tpu.memref_slice %arg6[%mul3A_70, %dma_wait3A] : memref<40x128xi32, #tpu.memory_space<vmem>> -> memref<1x128xi32, #tpu.memory_space<vmem>>
      %dma_wait3A_82 = tpu.memref_squeeze %dma_wait3A_81 : memref<1x128xi32, #tpu.memory_space<vmem>> -> memref<128xi32, #tpu.memory_space<vmem>>
      %dma_wait3A_83 = arith.constant 0 : i32
      %dma_wait3A_84 = arith.constant 0 : i32
      %dma_wait3A_85 = tpu.memref_slice %arg2[%dma_wait3A_83, %dma_wait3A_84] : memref<10240x64xbf16, #tpu.memory_space<hbm>> -> memref<10240x64xbf16, #tpu.memory_space<hbm>>
      tpu.wait_indirect_dma semaphore(%arg10 : memref<!tpu.dma_semaphore, #tpu.memory_space<semaphore_mem>>) src(%dma_wait3A_85 : memref<10240x64xbf16, #tpu.memory_space<hbm>>) dst(%arg8 : memref<128x64xbf16, #tpu.memory_space<vmem>>)
      "tpu.region"() ({
        %run_scoped3A = tpu.sem_alloc : memref<!tpu.dma_semaphore, #tpu.memory_space<semaphore_mem>>
        %dma_start3A_95 = arith.constant 0 : i32
        %dma_start3A_96 = tpu.memref_slice %arg7[%mul3A_70, %dma_start3A_95] : memref<40x128xi32, #tpu.memory_space<vmem>> -> memref<1x128xi32, #tpu.memory_space<vmem>>
        %dma_start3A_97 = tpu.memref_squeeze %dma_start3A_96 : memref<1x128xi32, #tpu.memory_space<vmem>> -> memref<128xi32, #tpu.memory_space<vmem>>
        %dma_start3A_98 = arith.constant 0 : i32
        %dma_start3A_99 = arith.constant 0 : i32
        %dma_start3A_100 = tpu.memref_slice %arg12[%dma_start3A_98, %dma_start3A_99] : memref<10240x64xbf16, #tpu.memory_space<vmem_shared>> -> memref<10240x64xbf16, #tpu.memory_space<vmem_shared>>
        tpu.enqueue_indirect_dma source(%arg8 : memref<128x64xbf16, #tpu.memory_space<vmem>>) target(%dma_start3A_100 : memref<10240x64xbf16, #tpu.memory_space<vmem_shared>>) offsets(%dma_start3A_97 : memref<128xi32, #tpu.memory_space<vmem>>) semaphore(%run_scoped3A : memref<!tpu.dma_semaphore, #tpu.memory_space<semaphore_mem>>) {add = true}
        %dma_wait3A_101 = arith.constant 0 : i32
        %dma_wait3A_102 = tpu.memref_slice %arg7[%mul3A_70, %dma_wait3A_101] : memref<40x128xi32, #tpu.memory_space<vmem>> -> memref<1x128xi32, #tpu.memory_space<vmem>>
        %dma_wait3A_103 = tpu.memref_squeeze %dma_wait3A_102 : memref<1x128xi32, #tpu.memory_space<vmem>> -> memref<128xi32, #tpu.memory_space<vmem>>
        %dma_wait3A_104 = arith.constant 0 : i32
        %dma_wait3A_105 = arith.constant 0 : i32
        %dma_wait3A_106 = tpu.memref_slice %arg12[%dma_wait3A_104, %dma_wait3A_105] : memref<10240x64xbf16, #tpu.memory_space<vmem_shared>> -> memref<10240x64xbf16, #tpu.memory_space<vmem_shared>>
        tpu.wait_indirect_dma semaphore(%run_scoped3A : memref<!tpu.dma_semaphore, #tpu.memory_space<semaphore_mem>>) src(%arg8 : memref<128x64xbf16, #tpu.memory_space<vmem>>) dst(%dma_wait3A_106 : memref<10240x64xbf16, #tpu.memory_space<vmem_shared>>)
        tpu.yield
      }) : () -> ()
      %lt3A = arith.constant 19 : i32
      %lt3A_86 = arith.cmpi slt, %scan3A_67, %lt3A : i32
      %convert_element_type3A = arith.extui %lt3A_86 : i1 to i32
      %cond3A = arith.constant 0 : i32
      %cond3A_87 = arith.cmpi ne, %convert_element_type3A, %cond3A : i32
      scf.if %cond3A_87 {
        %add3A_95 = arith.constant 2 : i32
        %add3A_96 = arith.addi %mul3A_70, %add3A_95 : i32
        %dma_start3A_97 = arith.constant 0 : i32
        %dma_start3A_98 = tpu.memref_slice %arg6[%add3A_96, %dma_start3A_97] : memref<40x128xi32, #tpu.memory_space<vmem>> -> memref<1x128xi32, #tpu.memory_space<vmem>>
        %dma_start3A_99 = tpu.memref_squeeze %dma_start3A_98 : memref<1x128xi32, #tpu.memory_space<vmem>> -> memref<128xi32, #tpu.memory_space<vmem>>
        %dma_start3A_100 = arith.constant 0 : i32
        %dma_start3A_101 = arith.constant 0 : i32
        %dma_start3A_102 = tpu.memref_slice %arg2[%dma_start3A_100, %dma_start3A_101] : memref<10240x64xbf16, #tpu.memory_space<hbm>> -> memref<10240x64xbf16, #tpu.memory_space<hbm>>
        tpu.enqueue_indirect_dma source(%dma_start3A_102 : memref<10240x64xbf16, #tpu.memory_space<hbm>>) target(%arg8 : memref<128x64xbf16, #tpu.memory_space<vmem>>) offsets(%dma_start3A_99 : memref<128xi32, #tpu.memory_space<vmem>>) semaphore(%arg10 : memref<!tpu.dma_semaphore, #tpu.memory_space<semaphore_mem>>)
      } else {
      }
      %dma_wait3A_88 = arith.constant 0 : i32
      %dma_wait3A_89 = tpu.memref_slice %arg6[%add3A_74, %dma_wait3A_88] : memref<40x128xi32, #tpu.memory_space<vmem>> -> memref<1x128xi32, #tpu.memory_space<vmem>>
      %dma_wait3A_90 = tpu.memref_squeeze %dma_wait3A_89 : memref<1x128xi32, #tpu.memory_space<vmem>> -> memref<128xi32, #tpu.memory_space<vmem>>
      %dma_wait3A_91 = arith.constant 0 : i32
      %dma_wait3A_92 = arith.constant 0 : i32
      %dma_wait3A_93 = tpu.memref_slice %arg2[%dma_wait3A_91, %dma_wait3A_92] : memref<10240x64xbf16, #tpu.memory_space<hbm>> -> memref<10240x64xbf16, #tpu.memory_space<hbm>>
      tpu.wait_indirect_dma semaphore(%arg11 : memref<!tpu.dma_semaphore, #tpu.memory_space<semaphore_mem>>) src(%dma_wait3A_93 : memref<10240x64xbf16, #tpu.memory_space<hbm>>) dst(%arg9 : memref<128x64xbf16, #tpu.memory_space<vmem>>)
      "tpu.region"() ({
        %run_scoped3A = tpu.sem_alloc : memref<!tpu.dma_semaphore, #tpu.memory_space<semaphore_mem>>
        %dma_start3A_95 = arith.constant 0 : i32
        %dma_start3A_96 = tpu.memref_slice %arg7[%add3A_74, %dma_start3A_95] : memref<40x128xi32, #tpu.memory_space<vmem>> -> memref<1x128xi32, #tpu.memory_space<vmem>>
        %dma_start3A_97 = tpu.memref_squeeze %dma_start3A_96 : memref<1x128xi32, #tpu.memory_space<vmem>> -> memref<128xi32, #tpu.memory_space<vmem>>
        %dma_start3A_98 = arith.constant 0 : i32
        %dma_start3A_99 = arith.constant 0 : i32
        %dma_start3A_100 = tpu.memref_slice %arg12[%dma_start3A_98, %dma_start3A_99] : memref<10240x64xbf16, #tpu.memory_space<vmem_shared>> -> memref<10240x64xbf16, #tpu.memory_space<vmem_shared>>
        tpu.enqueue_indirect_dma source(%arg9 : memref<128x64xbf16, #tpu.memory_space<vmem>>) target(%dma_start3A_100 : memref<10240x64xbf16, #tpu.memory_space<vmem_shared>>) offsets(%dma_start3A_97 : memref<128xi32, #tpu.memory_space<vmem>>) semaphore(%run_scoped3A : memref<!tpu.dma_semaphore, #tpu.memory_space<semaphore_mem>>) {add = true}
        %dma_wait3A_101 = arith.constant 0 : i32
        %dma_wait3A_102 = tpu.memref_slice %arg7[%add3A_74, %dma_wait3A_101] : memref<40x128xi32, #tpu.memory_space<vmem>> -> memref<1x128xi32, #tpu.memory_space<vmem>>
        %dma_wait3A_103 = tpu.memref_squeeze %dma_wait3A_102 : memref<1x128xi32, #tpu.memory_space<vmem>> -> memref<128xi32, #tpu.memory_space<vmem>>
        %dma_wait3A_104 = arith.constant 0 : i32
        %dma_wait3A_105 = arith.constant 0 : i32
        %dma_wait3A_106 = tpu.memref_slice %arg12[%dma_wait3A_104, %dma_wait3A_105] : memref<10240x64xbf16, #tpu.memory_space<vmem_shared>> -> memref<10240x64xbf16, #tpu.memory_space<vmem_shared>>
        tpu.wait_indirect_dma semaphore(%run_scoped3A : memref<!tpu.dma_semaphore, #tpu.memory_space<semaphore_mem>>) src(%arg9 : memref<128x64xbf16, #tpu.memory_space<vmem>>) dst(%dma_wait3A_106 : memref<10240x64xbf16, #tpu.memory_space<vmem_shared>>)
        tpu.yield
      }) : () -> ()
      %scan3A_94 = arith.constant 0 : i32
      scf.yield %scan3A_94 : i32
    }
    %scan3A_43 = arith.constant 20 : i32
    %mul3A_44 = arith.constant 80 : i32
    %mul3A_45 = arith.muli %add3A, %mul3A_44 : i32
    %add3A_46 = arith.constant 40 : i32
    %add3A_47 = arith.addi %mul3A_45, %add3A_46 : i32
    "tpu.region"() ({
      %run_scoped3A = tpu.sem_alloc : memref<!tpu.dma_semaphore, #tpu.memory_space<semaphore_mem>>
      %dma_start3A_67 = arith.constant 0 : i32
      %dma_start3A_68 = tpu.memref_slice %arg3[%add3A_47, %dma_start3A_67] : memref<2560x128xi32, #tpu.memory_space<hbm>> -> memref<40x128xi32, #tpu.memory_space<hbm>>
      %dma_start3A_69 = arith.constant 0 : i32
      %dma_start3A_70 = tpu.memref_slice %arg3[%add3A_47, %dma_start3A_69] : memref<2560x128xi32, #tpu.memory_space<hbm>> -> memref<40x128xi32, #tpu.memory_space<hbm>>
      tpu.enqueue_dma source(%dma_start3A_70 : memref<40x128xi32, #tpu.memory_space<hbm>>) target(%arg6 : memref<40x128xi32, #tpu.memory_space<vmem>>) target_semaphore(%run_scoped3A : memref<!tpu.dma_semaphore, #tpu.memory_space<semaphore_mem>>)
      %dma_wait3A = arith.constant 0 : i32
      %dma_wait3A_71 = tpu.memref_slice %arg3[%add3A_47, %dma_wait3A] : memref<2560x128xi32, #tpu.memory_space<hbm>> -> memref<40x128xi32, #tpu.memory_space<hbm>>
      %dma_wait3A_72 = arith.constant 0 : i32
      %dma_wait3A_73 = tpu.memref_slice %arg3[%add3A_47, %dma_wait3A_72] : memref<2560x128xi32, #tpu.memory_space<hbm>> -> memref<40x128xi32, #tpu.memory_space<hbm>>
      tpu.wait_dma2 semaphore(%run_scoped3A : memref<!tpu.dma_semaphore, #tpu.memory_space<semaphore_mem>>) src(%dma_wait3A_73 : memref<40x128xi32, #tpu.memory_space<hbm>>) dst(%arg6 : memref<40x128xi32, #tpu.memory_space<vmem>>)
      tpu.yield
    }) : () -> ()
    "tpu.region"() ({
      %run_scoped3A = tpu.sem_alloc : memref<!tpu.dma_semaphore, #tpu.memory_space<semaphore_mem>>
      %dma_start3A_67 = arith.constant 0 : i32
      %dma_start3A_68 = tpu.memref_slice %arg4[%add3A_47, %dma_start3A_67] : memref<2560x128xi32, #tpu.memory_space<hbm>> -> memref<40x128xi32, #tpu.memory_space<hbm>>
      %dma_start3A_69 = arith.constant 0 : i32
      %dma_start3A_70 = tpu.memref_slice %arg4[%add3A_47, %dma_start3A_69] : memref<2560x128xi32, #tpu.memory_space<hbm>> -> memref<40x128xi32, #tpu.memory_space<hbm>>
      tpu.enqueue_dma source(%dma_start3A_70 : memref<40x128xi32, #tpu.memory_space<hbm>>) target(%arg7 : memref<40x128xi32, #tpu.memory_space<vmem>>) target_semaphore(%run_scoped3A : memref<!tpu.dma_semaphore, #tpu.memory_space<semaphore_mem>>)
      %dma_wait3A = arith.constant 0 : i32
      %dma_wait3A_71 = tpu.memref_slice %arg4[%add3A_47, %dma_wait3A] : memref<2560x128xi32, #tpu.memory_space<hbm>> -> memref<40x128xi32, #tpu.memory_space<hbm>>
      %dma_wait3A_72 = arith.constant 0 : i32
      %dma_wait3A_73 = tpu.memref_slice %arg4[%add3A_47, %dma_wait3A_72] : memref<2560x128xi32, #tpu.memory_space<hbm>> -> memref<40x128xi32, #tpu.memory_space<hbm>>
      tpu.wait_dma2 semaphore(%run_scoped3A : memref<!tpu.dma_semaphore, #tpu.memory_space<semaphore_mem>>) src(%dma_wait3A_73 : memref<40x128xi32, #tpu.memory_space<hbm>>) dst(%arg7 : memref<40x128xi32, #tpu.memory_space<vmem>>)
      tpu.yield
    }) : () -> ()
    %dma_start3A_48 = arith.constant 0 : i32
    %dma_start3A_49 = arith.constant 0 : i32
    %dma_start3A_50 = tpu.memref_slice %arg6[%dma_start3A_48, %dma_start3A_49] : memref<40x128xi32, #tpu.memory_space<vmem>> -> memref<1x128xi32, #tpu.memory_space<vmem>>
    %dma_start3A_51 = tpu.memref_squeeze %dma_start3A_50 : memref<1x128xi32, #tpu.memory_space<vmem>> -> memref<128xi32, #tpu.memory_space<vmem>>
    %dma_start3A_52 = arith.constant 0 : i32
    %dma_start3A_53 = arith.constant 0 : i32
    %dma_start3A_54 = tpu.memref_slice %arg2[%dma_start3A_52, %dma_start3A_53] : memref<10240x64xbf16, #tpu.memory_space<hbm>> -> memref<10240x64xbf16, #tpu.memory_space<hbm>>
    tpu.enqueue_indirect_dma source(%dma_start3A_54 : memref<10240x64xbf16, #tpu.memory_space<hbm>>) target(%arg8 : memref<128x64xbf16, #tpu.memory_space<vmem>>) offsets(%dma_start3A_51 : memref<128xi32, #tpu.memory_space<vmem>>) semaphore(%arg10 : memref<!tpu.dma_semaphore, #tpu.memory_space<semaphore_mem>>)
    %scan3A_55 = arith.constant 0 : i32
    %scan3A_56 = arith.constant 0 : i32
    %scan3A_57 = arith.constant 20 : i32
    %scan3A_58 = arith.addi %scan3A_56, %scan3A_57 : i32
    %scan3A_59 = arith.constant 1 : i32
    %scan3A_60 = scf.for %scan3A_67 = %scan3A_56 to %scan3A_58 step %scan3A_59 iter_args(%scan3A_68 = %scan3A_55) -> (i32)  : i32 {
      %mul3A_69 = arith.constant 2 : i32
      %mul3A_70 = arith.muli %mul3A_69, %scan3A_67 : i32
      %mul3A_71 = arith.constant 2 : i32
      %mul3A_72 = arith.muli %mul3A_71, %scan3A_67 : i32
      %add3A_73 = arith.constant 1 : i32
      %add3A_74 = arith.addi %mul3A_72, %add3A_73 : i32
      %dma_start3A_75 = arith.constant 0 : i32
      %dma_start3A_76 = tpu.memref_slice %arg6[%add3A_74, %dma_start3A_75] : memref<40x128xi32, #tpu.memory_space<vmem>> -> memref<1x128xi32, #tpu.memory_space<vmem>>
      %dma_start3A_77 = tpu.memref_squeeze %dma_start3A_76 : memref<1x128xi32, #tpu.memory_space<vmem>> -> memref<128xi32, #tpu.memory_space<vmem>>
      %dma_start3A_78 = arith.constant 0 : i32
      %dma_start3A_79 = arith.constant 0 : i32
      %dma_start3A_80 = tpu.memref_slice %arg2[%dma_start3A_78, %dma_start3A_79] : memref<10240x64xbf16, #tpu.memory_space<hbm>> -> memref<10240x64xbf16, #tpu.memory_space<hbm>>
      tpu.enqueue_indirect_dma source(%dma_start3A_80 : memref<10240x64xbf16, #tpu.memory_space<hbm>>) target(%arg9 : memref<128x64xbf16, #tpu.memory_space<vmem>>) offsets(%dma_start3A_77 : memref<128xi32, #tpu.memory_space<vmem>>) semaphore(%arg11 : memref<!tpu.dma_semaphore, #tpu.memory_space<semaphore_mem>>)
      %dma_wait3A = arith.constant 0 : i32
      %dma_wait3A_81 = tpu.memref_slice %arg6[%mul3A_70, %dma_wait3A] : memref<40x128xi32, #tpu.memory_space<vmem>> -> memref<1x128xi32, #tpu.memory_space<vmem>>
      %dma_wait3A_82 = tpu.memref_squeeze %dma_wait3A_81 : memref<1x128xi32, #tpu.memory_space<vmem>> -> memref<128xi32, #tpu.memory_space<vmem>>
      %dma_wait3A_83 = arith.constant 0 : i32
      %dma_wait3A_84 = arith.constant 0 : i32
      %dma_wait3A_85 = tpu.memref_slice %arg2[%dma_wait3A_83, %dma_wait3A_84] : memref<10240x64xbf16, #tpu.memory_space<hbm>> -> memref<10240x64xbf16, #tpu.memory_space<hbm>>
      tpu.wait_indirect_dma semaphore(%arg10 : memref<!tpu.dma_semaphore, #tpu.memory_space<semaphore_mem>>) src(%dma_wait3A_85 : memref<10240x64xbf16, #tpu.memory_space<hbm>>) dst(%arg8 : memref<128x64xbf16, #tpu.memory_space<vmem>>)
      "tpu.region"() ({
        %run_scoped3A = tpu.sem_alloc : memref<!tpu.dma_semaphore, #tpu.memory_space<semaphore_mem>>
        %dma_start3A_95 = arith.constant 0 : i32
        %dma_start3A_96 = tpu.memref_slice %arg7[%mul3A_70, %dma_start3A_95] : memref<40x128xi32, #tpu.memory_space<vmem>> -> memref<1x128xi32, #tpu.memory_space<vmem>>
        %dma_start3A_97 = tpu.memref_squeeze %dma_start3A_96 : memref<1x128xi32, #tpu.memory_space<vmem>> -> memref<128xi32, #tpu.memory_space<vmem>>
        %dma_start3A_98 = arith.constant 0 : i32
        %dma_start3A_99 = arith.constant 0 : i32
        %dma_start3A_100 = tpu.memref_slice %arg12[%dma_start3A_98, %dma_start3A_99] : memref<10240x64xbf16, #tpu.memory_space<vmem_shared>> -> memref<10240x64xbf16, #tpu.memory_space<vmem_shared>>
        tpu.enqueue_indirect_dma source(%arg8 : memref<128x64xbf16, #tpu.memory_space<vmem>>) target(%dma_start3A_100 : memref<10240x64xbf16, #tpu.memory_space<vmem_shared>>) offsets(%dma_start3A_97 : memref<128xi32, #tpu.memory_space<vmem>>) semaphore(%run_scoped3A : memref<!tpu.dma_semaphore, #tpu.memory_space<semaphore_mem>>) {add = true}
        %dma_wait3A_101 = arith.constant 0 : i32
        %dma_wait3A_102 = tpu.memref_slice %arg7[%mul3A_70, %dma_wait3A_101] : memref<40x128xi32, #tpu.memory_space<vmem>> -> memref<1x128xi32, #tpu.memory_space<vmem>>
        %dma_wait3A_103 = tpu.memref_squeeze %dma_wait3A_102 : memref<1x128xi32, #tpu.memory_space<vmem>> -> memref<128xi32, #tpu.memory_space<vmem>>
        %dma_wait3A_104 = arith.constant 0 : i32
        %dma_wait3A_105 = arith.constant 0 : i32
        %dma_wait3A_106 = tpu.memref_slice %arg12[%dma_wait3A_104, %dma_wait3A_105] : memref<10240x64xbf16, #tpu.memory_space<vmem_shared>> -> memref<10240x64xbf16, #tpu.memory_space<vmem_shared>>
        tpu.wait_indirect_dma semaphore(%run_scoped3A : memref<!tpu.dma_semaphore, #tpu.memory_space<semaphore_mem>>) src(%arg8 : memref<128x64xbf16, #tpu.memory_space<vmem>>) dst(%dma_wait3A_106 : memref<10240x64xbf16, #tpu.memory_space<vmem_shared>>)
        tpu.yield
      }) : () -> ()
      %lt3A = arith.constant 19 : i32
      %lt3A_86 = arith.cmpi slt, %scan3A_67, %lt3A : i32
      %convert_element_type3A = arith.extui %lt3A_86 : i1 to i32
      %cond3A = arith.constant 0 : i32
      %cond3A_87 = arith.cmpi ne, %convert_element_type3A, %cond3A : i32
      scf.if %cond3A_87 {
        %add3A_95 = arith.constant 2 : i32
        %add3A_96 = arith.addi %mul3A_70, %add3A_95 : i32
        %dma_start3A_97 = arith.constant 0 : i32
        %dma_start3A_98 = tpu.memref_slice %arg6[%add3A_96, %dma_start3A_97] : memref<40x128xi32, #tpu.memory_space<vmem>> -> memref<1x128xi32, #tpu.memory_space<vmem>>
        %dma_start3A_99 = tpu.memref_squeeze %dma_start3A_98 : memref<1x128xi32, #tpu.memory_space<vmem>> -> memref<128xi32, #tpu.memory_space<vmem>>
        %dma_start3A_100 = arith.constant 0 : i32
        %dma_start3A_101 = arith.constant 0 : i32
        %dma_start3A_102 = tpu.memref_slice %arg2[%dma_start3A_100, %dma_start3A_101] : memref<10240x64xbf16, #tpu.memory_space<hbm>> -> memref<10240x64xbf16, #tpu.memory_space<hbm>>
        tpu.enqueue_indirect_dma source(%dma_start3A_102 : memref<10240x64xbf16, #tpu.memory_space<hbm>>) target(%arg8 : memref<128x64xbf16, #tpu.memory_space<vmem>>) offsets(%dma_start3A_99 : memref<128xi32, #tpu.memory_space<vmem>>) semaphore(%arg10 : memref<!tpu.dma_semaphore, #tpu.memory_space<semaphore_mem>>)
      } else {
      }
      %dma_wait3A_88 = arith.constant 0 : i32
      %dma_wait3A_89 = tpu.memref_slice %arg6[%add3A_74, %dma_wait3A_88] : memref<40x128xi32, #tpu.memory_space<vmem>> -> memref<1x128xi32, #tpu.memory_space<vmem>>
      %dma_wait3A_90 = tpu.memref_squeeze %dma_wait3A_89 : memref<1x128xi32, #tpu.memory_space<vmem>> -> memref<128xi32, #tpu.memory_space<vmem>>
      %dma_wait3A_91 = arith.constant 0 : i32
      %dma_wait3A_92 = arith.constant 0 : i32
      %dma_wait3A_93 = tpu.memref_slice %arg2[%dma_wait3A_91, %dma_wait3A_92] : memref<10240x64xbf16, #tpu.memory_space<hbm>> -> memref<10240x64xbf16, #tpu.memory_space<hbm>>
      tpu.wait_indirect_dma semaphore(%arg11 : memref<!tpu.dma_semaphore, #tpu.memory_space<semaphore_mem>>) src(%dma_wait3A_93 : memref<10240x64xbf16, #tpu.memory_space<hbm>>) dst(%arg9 : memref<128x64xbf16, #tpu.memory_space<vmem>>)
      "tpu.region"() ({
        %run_scoped3A = tpu.sem_alloc : memref<!tpu.dma_semaphore, #tpu.memory_space<semaphore_mem>>
        %dma_start3A_95 = arith.constant 0 : i32
        %dma_start3A_96 = tpu.memref_slice %arg7[%add3A_74, %dma_start3A_95] : memref<40x128xi32, #tpu.memory_space<vmem>> -> memref<1x128xi32, #tpu.memory_space<vmem>>
        %dma_start3A_97 = tpu.memref_squeeze %dma_start3A_96 : memref<1x128xi32, #tpu.memory_space<vmem>> -> memref<128xi32, #tpu.memory_space<vmem>>
        %dma_start3A_98 = arith.constant 0 : i32
        %dma_start3A_99 = arith.constant 0 : i32
        %dma_start3A_100 = tpu.memref_slice %arg12[%dma_start3A_98, %dma_start3A_99] : memref<10240x64xbf16, #tpu.memory_space<vmem_shared>> -> memref<10240x64xbf16, #tpu.memory_space<vmem_shared>>
        tpu.enqueue_indirect_dma source(%arg9 : memref<128x64xbf16, #tpu.memory_space<vmem>>) target(%dma_start3A_100 : memref<10240x64xbf16, #tpu.memory_space<vmem_shared>>) offsets(%dma_start3A_97 : memref<128xi32, #tpu.memory_space<vmem>>) semaphore(%run_scoped3A : memref<!tpu.dma_semaphore, #tpu.memory_space<semaphore_mem>>) {add = true}
        %dma_wait3A_101 = arith.constant 0 : i32
        %dma_wait3A_102 = tpu.memref_slice %arg7[%add3A_74, %dma_wait3A_101] : memref<40x128xi32, #tpu.memory_space<vmem>> -> memref<1x128xi32, #tpu.memory_space<vmem>>
        %dma_wait3A_103 = tpu.memref_squeeze %dma_wait3A_102 : memref<1x128xi32, #tpu.memory_space<vmem>> -> memref<128xi32, #tpu.memory_space<vmem>>
        %dma_wait3A_104 = arith.constant 0 : i32
        %dma_wait3A_105 = arith.constant 0 : i32
        %dma_wait3A_106 = tpu.memref_slice %arg12[%dma_wait3A_104, %dma_wait3A_105] : memref<10240x64xbf16, #tpu.memory_space<vmem_shared>> -> memref<10240x64xbf16, #tpu.memory_space<vmem_shared>>
        tpu.wait_indirect_dma semaphore(%run_scoped3A : memref<!tpu.dma_semaphore, #tpu.memory_space<semaphore_mem>>) src(%arg9 : memref<128x64xbf16, #tpu.memory_space<vmem>>) dst(%dma_wait3A_106 : memref<10240x64xbf16, #tpu.memory_space<vmem_shared>>)
        tpu.yield
      }) : () -> ()
      %scan3A_94 = arith.constant 0 : i32
      scf.yield %scan3A_94 : i32
    }
    %scan3A_61 = arith.constant 20 : i32
    %barrier3A_62 = arith.constant 0 : index
    tpu.barrier barrier_id(%barrier3A_62)
    %mul3A_63 = arith.constant 640 : i32
    %mul3A_64 = arith.muli %arg1, %mul3A_63 : i32
    %mul3A_65 = arith.constant 640 : i32
    %mul3A_66 = arith.muli %arg1, %mul3A_65 : i32
    "tpu.region"() ({
      %run_scoped3A = tpu.sem_alloc : memref<!tpu.dma_semaphore, #tpu.memory_space<semaphore_mem>>
      %dma_start3A_67 = arith.constant 0 : i32
      %dma_start3A_68 = tpu.memref_slice %arg5[%arg0, %mul3A_66, %dma_start3A_67] : memref<2x10240x64xbf16, #tpu.memory_space<hbm>> -> memref<1x640x64xbf16, #tpu.memory_space<hbm>>
      %dma_start3A_69 = tpu.memref_squeeze %dma_start3A_68 : memref<1x640x64xbf16, #tpu.memory_space<hbm>> -> memref<640x64xbf16, #tpu.memory_space<hbm>>
      %dma_start3A_70 = arith.constant 0 : i32
      %dma_start3A_71 = tpu.memref_slice %arg12[%mul3A_64, %dma_start3A_70] : memref<10240x64xbf16, #tpu.memory_space<vmem_shared>> -> memref<640x64xbf16, #tpu.memory_space<vmem_shared>>
      tpu.enqueue_dma source(%dma_start3A_71 : memref<640x64xbf16, #tpu.memory_space<vmem_shared>>) target(%dma_start3A_69 : memref<640x64xbf16, #tpu.memory_space<hbm>>) target_semaphore(%run_scoped3A : memref<!tpu.dma_semaphore, #tpu.memory_space<semaphore_mem>>)
      %dma_wait3A = arith.constant 0 : i32
      %dma_wait3A_72 = tpu.memref_slice %arg5[%arg0, %mul3A_66, %dma_wait3A] : memref<2x10240x64xbf16, #tpu.memory_space<hbm>> -> memref<1x640x64xbf16, #tpu.memory_space<hbm>>
      %dma_wait3A_73 = tpu.memref_squeeze %dma_wait3A_72 : memref<1x640x64xbf16, #tpu.memory_space<hbm>> -> memref<640x64xbf16, #tpu.memory_space<hbm>>
      %dma_wait3A_74 = arith.constant 0 : i32
      %dma_wait3A_75 = tpu.memref_slice %arg12[%mul3A_64, %dma_wait3A_74] : memref<10240x64xbf16, #tpu.memory_space<vmem_shared>> -> memref<640x64xbf16, #tpu.memory_space<vmem_shared>>
      tpu.wait_dma2 semaphore(%run_scoped3A : memref<!tpu.dma_semaphore, #tpu.memory_space<semaphore_mem>>) src(%dma_wait3A_75 : memref<640x64xbf16, #tpu.memory_space<vmem_shared>>) dst(%dma_wait3A_73 : memref<640x64xbf16, #tpu.memory_space<hbm>>)
      tpu.yield
    }) : () -> ()
    return
  }
}

module attributes {stable_mosaic.version = 14 : i64} {
  func.func @_tc_mm_body(%arg0: i32, %arg1: memref<1280x128xf32, #tpu.memory_space<vmem>>, %arg2: memref<128x128xf32, #tpu.memory_space<vmem>>, %arg3: memref<1280x128xf32, #tpu.memory_space<vmem>>) attributes {dimension_semantics = [#tpu.dimension_semantics<arbitrary>], iteration_bounds = array<i64: 8>, scalar_prefetch = 0 : i64, scratch_operands = 0 : i64, tpu.core_type = #tpu.core_type<tc>, window_params = [{transform_indices = @transform_0, window_bounds = array<i64: 1280, 128>}, {pipeline_mode = #tpu.pipeline_mode<synchronous>, transform_indices = @transform_1, window_bounds = array<i64: 128, 128>}, {transform_indices = @transform_2, window_bounds = array<i64: 1280, 128>}]} {
    %get3A = arith.constant 0 : index
    %get3A_0 = arith.constant 0 : index
    %get3A_1 = vector.load %arg1[%get3A, %get3A_0] : memref<1280x128xf32, #tpu.memory_space<vmem>>, vector<1280x128xf32>
    %get3A_2 = arith.constant 0 : index
    %get3A_3 = arith.constant 0 : index
    %get3A_4 = vector.load %arg2[%get3A_2, %get3A_3] : memref<128x128xf32, #tpu.memory_space<vmem>>, vector<128x128xf32>
    %dot_general3A = arith.constant dense<0.000000e+00> : vector<1280x128xf32>
    %dot_general3A_5 = tpu.matmul %get3A_1, %get3A_4, %dot_general3A {dimension_numbers = #tpu.dot_dimension_numbers<[1], [0], [0], [1], [0, 0, 1, 1], [], []>, transpose_lhs_hint = false} : vector<1280x128xf32>, vector<128x128xf32>, vector<1280x128xf32> -> vector<1280x128xf32>
    %swap3A = arith.constant 0 : index
    %swap3A_6 = arith.constant 0 : index
    %swap3A_7 = vector.load %arg3[%swap3A, %swap3A_6] : memref<1280x128xf32, #tpu.memory_space<vmem>>, vector<1280x128xf32>
    tpu.vector_store %arg3[%swap3A, %swap3A_6], %dot_general3A_5 {strides = array<i32>} : memref<1280x128xf32, #tpu.memory_space<vmem>>, vector<1280x128xf32>,
    return
  }
  func.func @transform_0(%arg0: i32) -> (i32, i32) {
    %c0_i32 = arith.constant 0 : i32
    %c0_i32_0 = arith.constant 0 : i32
    return %arg0, %c0_i32 : i32, i32
  }
  func.func @transform_1(%arg0: i32) -> (i32, i32) {
    %c0_i32 = arith.constant 0 : i32
    %c0_i32_0 = arith.constant 0 : i32
    %c0_i32_1 = arith.constant 0 : i32
    return %c0_i32, %c0_i32_0 : i32, i32
  }
  func.func @transform_2(%arg0: i32) -> (i32, i32) {
    %c0_i32 = arith.constant 0 : i32
    %c0_i32_0 = arith.constant 0 : i32
    return %arg0, %c0_i32 : i32, i32
  }
}

module attributes {stable_mosaic.version = 14 : i64} {
  func.func @_tc_a_body(%arg0: i32, %arg1: memref<1280x128xf32, #tpu.memory_space<vmem>>, %arg2: memref<2x1280x16xf32, #tpu.memory_space<vmem>>, %arg3: memref<1280x128xf32, #tpu.memory_space<vmem>>, %arg4: memref<1280x128xbf16, #tpu.memory_space<vmem>>) attributes {dimension_semantics = [#tpu.dimension_semantics<arbitrary>], iteration_bounds = array<i64: 8>, scalar_prefetch = 0 : i64, scratch_operands = 0 : i64, tpu.core_type = #tpu.core_type<tc>, window_params = [{transform_indices = @transform_0, window_bounds = array<i64: 1280, 128>}, {transform_indices = @transform_1, window_bounds = array<i64: 2, 1280, 16>}, {transform_indices = @transform_2, window_bounds = array<i64: 1280, 128>}, {transform_indices = @transform_3, window_bounds = array<i64: 1280, 128>}]} {
    %get3A = arith.constant 0 : index
    %get3A_0 = arith.constant 0 : index
    %get3A_1 = arith.constant 0 : index
    %get3A_2 = vector.load %arg2[%get3A, %get3A_0, %get3A_1] : memref<2x1280x16xf32, #tpu.memory_space<vmem>>, vector<1x1280x1xf32>
    %get3A_3 = vector.shape_cast %get3A_2 : vector<1x1280x1xf32> to vector<1280x1xf32>
    %get3A_4 = arith.constant 1 : index
    %get3A_5 = arith.constant 0 : index
    %get3A_6 = arith.constant 0 : index
    %get3A_7 = vector.load %arg2[%get3A_4, %get3A_5, %get3A_6] : memref<2x1280x16xf32, #tpu.memory_space<vmem>>, vector<1x1280x1xf32>
    %get3A_8 = vector.shape_cast %get3A_7 : vector<1x1280x1xf32> to vector<1280x1xf32>
    %add3A = arith.addf %get3A_3, %get3A_8 : vector<1280x1xf32>
    %add3A_9 = arith.constant 1.000000e+00 : f32
    %add3A_10 = vector.broadcast %add3A_9 : f32 to vector<1280x1xf32>
    %add3A_11 = arith.addf %add3A, %add3A_10 : vector<1280x1xf32>
    %rsqrt3A = math.rsqrt %add3A_11 : vector<1280x1xf32>
    %get3A_12 = arith.constant 0 : index
    %get3A_13 = arith.constant 0 : index
    %get3A_14 = vector.load %arg1[%get3A_12, %get3A_13] : memref<1280x128xf32, #tpu.memory_space<vmem>>, vector<1280x128xf32>
    %mul3A = vector.broadcast %rsqrt3A : vector<1280x1xf32> to vector<1280x128xf32>
    %mul3A_15 = arith.mulf %get3A_14, %mul3A : vector<1280x128xf32>
    %swap3A = arith.constant 0 : index
    %swap3A_16 = arith.constant 0 : index
    %swap3A_17 = vector.load %arg3[%swap3A, %swap3A_16] : memref<1280x128xf32, #tpu.memory_space<vmem>>, vector<1280x128xf32>
    tpu.vector_store %arg3[%swap3A, %swap3A_16], %mul3A_15 {strides = array<i32>} : memref<1280x128xf32, #tpu.memory_space<vmem>>, vector<1280x128xf32>,
    %convert_element_type3A = arith.truncf %mul3A_15 : vector<1280x128xf32> to vector<1280x128xbf16>
    %swap3A_18 = arith.constant 0 : index
    %swap3A_19 = arith.constant 0 : index
    %swap3A_20 = vector.load %arg4[%swap3A_18, %swap3A_19] : memref<1280x128xbf16, #tpu.memory_space<vmem>>, vector<1280x128xbf16>
    tpu.vector_store %arg4[%swap3A_18, %swap3A_19], %convert_element_type3A {strides = array<i32>} : memref<1280x128xbf16, #tpu.memory_space<vmem>>, vector<1280x128xbf16>,
    return
  }
  func.func @transform_0(%arg0: i32) -> (i32, i32) {
    %c0_i32 = arith.constant 0 : i32
    %c0_i32_0 = arith.constant 0 : i32
    return %arg0, %c0_i32 : i32, i32
  }
  func.func @transform_1(%arg0: i32) -> (i32, i32, i32) {
    %c0_i32 = arith.constant 0 : i32
    %c0_i32_0 = arith.constant 0 : i32
    %c0_i32_1 = arith.constant 0 : i32
    return %c0_i32, %arg0, %c0_i32_0 : i32, i32, i32
  }
  func.func @transform_2(%arg0: i32) -> (i32, i32) {
    %c0_i32 = arith.constant 0 : i32
    %c0_i32_0 = arith.constant 0 : i32
    return %arg0, %c0_i32 : i32, i32
  }
  func.func @transform_3(%arg0: i32) -> (i32, i32) {
    %c0_i32 = arith.constant 0 : i32
    %c0_i32_0 = arith.constant 0 : i32
    return %arg0, %c0_i32 : i32, i32
  }
}

module attributes {stable_mosaic.version = 14 : i64} {
  func.func @_tc_b_body(%arg0: i32, %arg1: memref<2x1280x128xbf16, #tpu.memory_space<vmem>>, %arg2: memref<1280x128xf32, #tpu.memory_space<vmem>>, %arg3: memref<2x1280x16xf32, #tpu.memory_space<vmem>>, %arg4: memref<1x128xf32, #tpu.memory_space<vmem>>, %arg5: memref<128x64xf32, #tpu.memory_space<vmem>>, %arg6: memref<1280x64xf32, #tpu.memory_space<vmem>>, %arg7: memref<1280x64xbf16, #tpu.memory_space<vmem>>) attributes {dimension_semantics = [#tpu.dimension_semantics<arbitrary>], iteration_bounds = array<i64: 8>, scalar_prefetch = 0 : i64, scratch_operands = 0 : i64, tpu.core_type = #tpu.core_type<tc>, window_params = [{transform_indices = @transform_0, window_bounds = array<i64: 2, 1280, 128>}, {transform_indices = @transform_1, window_bounds = array<i64: 1280, 128>}, {transform_indices = @transform_2, window_bounds = array<i64: 2, 1280, 16>}, {pipeline_mode = #tpu.pipeline_mode<synchronous>, transform_indices = @transform_3, window_bounds = array<i64: 1, 128>}, {pipeline_mode = #tpu.pipeline_mode<synchronous>, transform_indices = @transform_4, window_bounds = array<i64: 128, 64>}, {transform_indices = @transform_5, window_bounds = array<i64: 1280, 64>}, {transform_indices = @transform_6, window_bounds = array<i64: 1280, 64>}]} {
    %get3A = arith.constant 0 : index
    %get3A_0 = arith.constant 0 : index
    %get3A_1 = arith.constant 0 : index
    %get3A_2 = vector.load %arg3[%get3A, %get3A_0, %get3A_1] : memref<2x1280x16xf32, #tpu.memory_space<vmem>>, vector<1x1280x1xf32>
    %get3A_3 = vector.shape_cast %get3A_2 : vector<1x1280x1xf32> to vector<1280x1xf32>
    %get3A_4 = arith.constant 1 : index
    %get3A_5 = arith.constant 0 : index
    %get3A_6 = arith.constant 0 : index
    %get3A_7 = vector.load %arg3[%get3A_4, %get3A_5, %get3A_6] : memref<2x1280x16xf32, #tpu.memory_space<vmem>>, vector<1x1280x1xf32>
    %get3A_8 = vector.shape_cast %get3A_7 : vector<1x1280x1xf32> to vector<1280x1xf32>
    %add3A = arith.addf %get3A_3, %get3A_8 : vector<1280x1xf32>
    %add3A_9 = arith.constant 1.000000e+00 : f32
    %add3A_10 = vector.broadcast %add3A_9 : f32 to vector<1280x1xf32>
    %add3A_11 = arith.addf %add3A, %add3A_10 : vector<1280x1xf32>
    %rsqrt3A = math.rsqrt %add3A_11 : vector<1280x1xf32>
    %get3A_12 = arith.constant 0 : index
    %get3A_13 = arith.constant 0 : index
    %get3A_14 = arith.constant 0 : index
    %get3A_15 = vector.load %arg1[%get3A_12, %get3A_13, %get3A_14] : memref<2x1280x128xbf16, #tpu.memory_space<vmem>>, vector<1x1280x128xbf16>
    %get3A_16 = vector.shape_cast %get3A_15 : vector<1x1280x128xbf16> to vector<1280x128xbf16>
    %convert_element_type3A = arith.extf %get3A_16 : vector<1280x128xbf16> to vector<1280x128xf32>
    %get3A_17 = arith.constant 1 : index
    %get3A_18 = arith.constant 0 : index
    %get3A_19 = arith.constant 0 : index
    %get3A_20 = vector.load %arg1[%get3A_17, %get3A_18, %get3A_19] : memref<2x1280x128xbf16, #tpu.memory_space<vmem>>, vector<1x1280x128xbf16>
    %get3A_21 = vector.shape_cast %get3A_20 : vector<1x1280x128xbf16> to vector<1280x128xbf16>
    %convert_element_type3A_22 = arith.extf %get3A_21 : vector<1280x128xbf16> to vector<1280x128xf32>
    %add3A_23 = arith.addf %convert_element_type3A, %convert_element_type3A_22 : vector<1280x128xf32>
    %get3A_24 = arith.constant 0 : index
    %get3A_25 = arith.constant 0 : index
    %get3A_26 = vector.load %arg2[%get3A_24, %get3A_25] : memref<1280x128xf32, #tpu.memory_space<vmem>>, vector<1280x128xf32>
    %add3A_27 = arith.addf %add3A_23, %get3A_26 : vector<1280x128xf32>
    %mul3A = vector.broadcast %rsqrt3A : vector<1280x1xf32> to vector<1280x128xf32>
    %mul3A_28 = arith.mulf %add3A_27, %mul3A : vector<1280x128xf32>
    %get3A_29 = arith.constant 0 : index
    %get3A_30 = arith.constant 0 : index
    %get3A_31 = vector.load %arg4[%get3A_29, %get3A_30] : memref<1x128xf32, #tpu.memory_space<vmem>>, vector<1x128xf32>
    %add3A_32 = vector.broadcast %get3A_31 : vector<1x128xf32> to vector<1280x128xf32>
    %add3A_33 = arith.addf %mul3A_28, %add3A_32 : vector<1280x128xf32>
    %max3A = arith.constant 0.000000e+00 : f32
    %max3A_34 = vector.broadcast %max3A : f32 to vector<1280x128xf32>
    %max3A_35 = arith.maximumf %add3A_33, %max3A_34 : vector<1280x128xf32>
    %get3A_36 = arith.constant 0 : index
    %get3A_37 = arith.constant 0 : index
    %get3A_38 = vector.load %arg5[%get3A_36, %get3A_37] : memref<128x64xf32, #tpu.memory_space<vmem>>, vector<128x64xf32>
    %dot_general3A = arith.constant dense<0.000000e+00> : vector<1280x64xf32>
    %dot_general3A_39 = tpu.matmul %max3A_35, %get3A_38, %dot_general3A {dimension_numbers = #tpu.dot_dimension_numbers<[1], [0], [0], [1], [0, 0, 1, 1], [], []>, transpose_lhs_hint = false} : vector<1280x128xf32>, vector<128x64xf32>, vector<1280x64xf32> -> vector<1280x64xf32>
    %mul3A_40 = vector.broadcast %rsqrt3A : vector<1280x1xf32> to vector<1280x64xf32>
    %mul3A_41 = arith.mulf %dot_general3A_39, %mul3A_40 : vector<1280x64xf32>
    %swap3A = arith.constant 0 : index
    %swap3A_42 = arith.constant 0 : index
    %swap3A_43 = vector.load %arg6[%swap3A, %swap3A_42] : memref<1280x64xf32, #tpu.memory_space<vmem>>, vector<1280x64xf32>
    tpu.vector_store %arg6[%swap3A, %swap3A_42], %mul3A_41 {strides = array<i32>} : memref<1280x64xf32, #tpu.memory_space<vmem>>, vector<1280x64xf32>,
    %convert_element_type3A_44 = arith.truncf %mul3A_41 : vector<1280x64xf32> to vector<1280x64xbf16>
    %swap3A_45 = arith.constant 0 : index
    %swap3A_46 = arith.constant 0 : index
    %swap3A_47 = vector.load %arg7[%swap3A_45, %swap3A_46] : memref<1280x64xbf16, #tpu.memory_space<vmem>>, vector<1280x64xbf16>
    tpu.vector_store %arg7[%swap3A_45, %swap3A_46], %convert_element_type3A_44 {strides = array<i32>} : memref<1280x64xbf16, #tpu.memory_space<vmem>>, vector<1280x64xbf16>,
    return
  }
  func.func @transform_0(%arg0: i32) -> (i32, i32, i32) {
    %c0_i32 = arith.constant 0 : i32
    %c0_i32_0 = arith.constant 0 : i32
    %c0_i32_1 = arith.constant 0 : i32
    return %c0_i32, %arg0, %c0_i32_0 : i32, i32, i32
  }
  func.func @transform_1(%arg0: i32) -> (i32, i32) {
    %c0_i32 = arith.constant 0 : i32
    %c0_i32_0 = arith.constant 0 : i32
    return %arg0, %c0_i32 : i32, i32
  }
  func.func @transform_2(%arg0: i32) -> (i32, i32, i32) {
    %c0_i32 = arith.constant 0 : i32
    %c0_i32_0 = arith.constant 0 : i32
    %c0_i32_1 = arith.constant 0 : i32
    return %c0_i32, %arg0, %c0_i32_0 : i32, i32, i32
  }
  func.func @transform_3(%arg0: i32) -> (i32, i32) {
    %c0_i32 = arith.constant 0 : i32
    %c0_i32_0 = arith.constant 0 : i32
    %c0_i32_1 = arith.constant 0 : i32
    return %c0_i32, %c0_i32_0 : i32, i32
  }
  func.func @transform_4(%arg0: i32) -> (i32, i32) {
    %c0_i32 = arith.constant 0 : i32
    %c0_i32_0 = arith.constant 0 : i32
    %c0_i32_1 = arith.constant 0 : i32
    return %c0_i32, %c0_i32_0 : i32, i32
  }
  func.func @transform_5(%arg0: i32) -> (i32, i32) {
    %c0_i32 = arith.constant 0 : i32
    %c0_i32_0 = arith.constant 0 : i32
    return %arg0, %c0_i32 : i32, i32
  }
  func.func @transform_6(%arg0: i32) -> (i32, i32) {
    %c0_i32 = arith.constant 0 : i32
    %c0_i32_0 = arith.constant 0 : i32
    return %arg0, %c0_i32 : i32, i32
  }
}

module attributes {stable_mosaic.version = 14 : i64} {
  func.func @_tc_c_body(%arg0: i32, %arg1: memref<2x1280x64xbf16, #tpu.memory_space<vmem>>, %arg2: memref<1280x64xf32, #tpu.memory_space<vmem>>, %arg3: memref<2x1280x16xf32, #tpu.memory_space<vmem>>, %arg4: memref<1x64xf32, #tpu.memory_space<vmem>>, %arg5: memref<1280x64xf32, #tpu.memory_space<vmem>>) attributes {dimension_semantics = [#tpu.dimension_semantics<arbitrary>], iteration_bounds = array<i64: 8>, scalar_prefetch = 0 : i64, scratch_operands = 0 : i64, tpu.core_type = #tpu.core_type<tc>, window_params = [{transform_indices = @transform_0, window_bounds = array<i64: 2, 1280, 64>}, {transform_indices = @transform_1, window_bounds = array<i64: 1280, 64>}, {transform_indices = @transform_2, window_bounds = array<i64: 2, 1280, 16>}, {pipeline_mode = #tpu.pipeline_mode<synchronous>, transform_indices = @transform_3, window_bounds = array<i64: 1, 64>}, {transform_indices = @transform_4, window_bounds = array<i64: 1280, 64>}]} {
    %get3A = arith.constant 0 : index
    %get3A_0 = arith.constant 0 : index
    %get3A_1 = arith.constant 0 : index
    %get3A_2 = vector.load %arg3[%get3A, %get3A_0, %get3A_1] : memref<2x1280x16xf32, #tpu.memory_space<vmem>>, vector<1x1280x1xf32>
    %get3A_3 = vector.shape_cast %get3A_2 : vector<1x1280x1xf32> to vector<1280x1xf32>
    %get3A_4 = arith.constant 1 : index
    %get3A_5 = arith.constant 0 : index
    %get3A_6 = arith.constant 0 : index
    %get3A_7 = vector.load %arg3[%get3A_4, %get3A_5, %get3A_6] : memref<2x1280x16xf32, #tpu.memory_space<vmem>>, vector<1x1280x1xf32>
    %get3A_8 = vector.shape_cast %get3A_7 : vector<1x1280x1xf32> to vector<1280x1xf32>
    %add3A = arith.addf %get3A_3, %get3A_8 : vector<1280x1xf32>
    %add3A_9 = arith.constant 1.000000e+00 : f32
    %add3A_10 = vector.broadcast %add3A_9 : f32 to vector<1280x1xf32>
    %add3A_11 = arith.addf %add3A, %add3A_10 : vector<1280x1xf32>
    %rsqrt3A = math.rsqrt %add3A_11 : vector<1280x1xf32>
    %get3A_12 = arith.constant 0 : index
    %get3A_13 = arith.constant 0 : index
    %get3A_14 = arith.constant 0 : index
    %get3A_15 = vector.load %arg1[%get3A_12, %get3A_13, %get3A_14] : memref<2x1280x64xbf16, #tpu.memory_space<vmem>>, vector<1x1280x64xbf16>
    %get3A_16 = vector.shape_cast %get3A_15 : vector<1x1280x64xbf16> to vector<1280x64xbf16>
    %convert_element_type3A = arith.extf %get3A_16 : vector<1280x64xbf16> to vector<1280x64xf32>
    %get3A_17 = arith.constant 1 : index
    %get3A_18 = arith.constant 0 : index
    %get3A_19 = arith.constant 0 : index
    %get3A_20 = vector.load %arg1[%get3A_17, %get3A_18, %get3A_19] : memref<2x1280x64xbf16, #tpu.memory_space<vmem>>, vector<1x1280x64xbf16>
    %get3A_21 = vector.shape_cast %get3A_20 : vector<1x1280x64xbf16> to vector<1280x64xbf16>
    %convert_element_type3A_22 = arith.extf %get3A_21 : vector<1280x64xbf16> to vector<1280x64xf32>
    %add3A_23 = arith.addf %convert_element_type3A, %convert_element_type3A_22 : vector<1280x64xf32>
    %get3A_24 = arith.constant 0 : index
    %get3A_25 = arith.constant 0 : index
    %get3A_26 = vector.load %arg2[%get3A_24, %get3A_25] : memref<1280x64xf32, #tpu.memory_space<vmem>>, vector<1280x64xf32>
    %add3A_27 = arith.addf %add3A_23, %get3A_26 : vector<1280x64xf32>
    %mul3A = vector.broadcast %rsqrt3A : vector<1280x1xf32> to vector<1280x64xf32>
    %mul3A_28 = arith.mulf %add3A_27, %mul3A : vector<1280x64xf32>
    %get3A_29 = arith.constant 0 : index
    %get3A_30 = arith.constant 0 : index
    %get3A_31 = vector.load %arg4[%get3A_29, %get3A_30] : memref<1x64xf32, #tpu.memory_space<vmem>>, vector<1x64xf32>
    %add3A_32 = vector.broadcast %get3A_31 : vector<1x64xf32> to vector<1280x64xf32>
    %add3A_33 = arith.addf %mul3A_28, %add3A_32 : vector<1280x64xf32>
    %max3A = arith.constant 0.000000e+00 : f32
    %max3A_34 = vector.broadcast %max3A : f32 to vector<1280x64xf32>
    %max3A_35 = arith.maximumf %add3A_33, %max3A_34 : vector<1280x64xf32>
    %swap3A = arith.constant 0 : index
    %swap3A_36 = arith.constant 0 : index
    %swap3A_37 = vector.load %arg5[%swap3A, %swap3A_36] : memref<1280x64xf32, #tpu.memory_space<vmem>>, vector<1280x64xf32>
    tpu.vector_store %arg5[%swap3A, %swap3A_36], %max3A_35 {strides = array<i32>} : memref<1280x64xf32, #tpu.memory_space<vmem>>, vector<1280x64xf32>,
    return
  }
  func.func @transform_0(%arg0: i32) -> (i32, i32, i32) {
    %c0_i32 = arith.constant 0 : i32
    %c0_i32_0 = arith.constant 0 : i32
    %c0_i32_1 = arith.constant 0 : i32
    return %c0_i32, %arg0, %c0_i32_0 : i32, i32, i32
  }
  func.func @transform_1(%arg0: i32) -> (i32, i32) {
    %c0_i32 = arith.constant 0 : i32
    %c0_i32_0 = arith.constant 0 : i32
    return %arg0, %c0_i32 : i32, i32
  }
  func.func @transform_2(%arg0: i32) -> (i32, i32, i32) {
    %c0_i32 = arith.constant 0 : i32
    %c0_i32_0 = arith.constant 0 : i32
    %c0_i32_1 = arith.constant 0 : i32
    return %c0_i32, %arg0, %c0_i32_0 : i32, i32, i32
  }
  func.func @transform_3(%arg0: i32) -> (i32, i32) {
    %c0_i32 = arith.constant 0 : i32
    %c0_i32_0 = arith.constant 0 : i32
    %c0_i32_1 = arith.constant 0 : i32
    return %c0_i32, %c0_i32_0 : i32, i32
  }
  func.func @transform_4(%arg0: i32) -> (i32, i32) {
    %c0_i32 = arith.constant 0 : i32
    %c0_i32_0 = arith.constant 0 : i32
    return %arg0, %c0_i32 : i32, i32
  }
}

</mosaic_0001>

<sc_bundles>
// kernel: kernel.12.cloned.1.call-start
scs
__scs_entry_jumppad:
0x0: {  	(pc) =	sbr.rel $0x88, $3  }
0x1: {  	(tag) =	ssettag $0x0;
	lr =	simm.s32 $0x1  }
0x2: {  	[smem:$0x3F9B] =	sst lr;
	_ =	strace $0xD0000000  }
0x3: {  	_ = 	snop  }
0x4: {  	_ = 	snop  }
0x5: {  	_ = 	snop  }
0x6: {  	_ = 	snop  }
0x7: {  	_ = 	snop  }
__scs_overlays_trampoline_lowered:
0x8: {  	[smem:$0x3FAA] =	sst s0  }
0x9: {  	[smem:$0x3FAB] =	sst s1  }
0xa: {  	[smem:$0x3FAC] =	sst s2  }
0xb: {  	[smem:$0x3FAD] =	sst s3  }
0xc: {  	[smem:$0x3FAE] =	sst s4  }
0xd: {  	[smem:$0x3FAF] =	sst s5  }
0xe: {  	[smem:$0x3FB0] =	sst s6  }
0xf: {  	[smem:$0x3FB1] =	sst s7  }
0x10: {  	[smem:$0x3FB2] =	sst s8  }
0x11: {  	[smem:$0x3FB3] =	sst s9;
	s0 =	simm.s32 @!p0 $0x0  }
0x12: {  	s1 =	sld [smem:$0x3F99];
	s0 =	simm.s32 @p0 $0x1  }
0x13: {  	[smem:$0x3FB4] =	sst s0;
	s0 =	simm.s32 @!p1 $0x0  }
0x14: {  	s2 =	sld [smem:$0x3F98];
	s0 =	simm.s32 @p1 $0x1  }
0x15: {  	[smem:$0x3FB5] =	sst s0;
	s0 =	simm.s32 @!p2 $0x0  }
0x16: {  	s3 =	sld [smem:$0x3FDB];
	s0 =	simm.s32 @p2 $0x1  }
0x17: {  	s4 =	simm.s32 $0x1BF5;
	[smem:$0x3FB7] =	sst s0  }
0x18: {  	s0 =	sld [smem:$0x3F9A];
	_ =	swait.ge [sflag:s4], $0x0  }
0x19: {  	s7 =	sld [smem:$0x3F9B]  }
0x1a: {  	s8 =	sadd.s32 $0xFFFFE003, lr  }
0x1b: {  	s9 =	sadd.s32 $0xFFFFFEF7, lr;
	s5 =	simm.s32 $0xFFFFFFFF;
	p2 =	slt.u32 s8, $0xFFFFF086  }
0x1c: {  	p1 =	slt.u32 s9, $0xF7A;
	s5 =	simm.s32 @!p2 $0x0  }
0x1d: {  	s5 =	simm.s32 @p1 $0x1;
	p0 =	seq.s32 s7, s2  }
0x1e: {  	s7 =	smul.u32 @!p0 $0xF7A, s2;
	p2 =	seq.s32 @!p0 s5, $0x0  }
0x1f: {  	s9 =	smul.u32 $0xF7A, s1;
	s8 =	simm.s32 @!p0 $0x1BF5;
	p2 =	por !p2, p0  }
0x20: {  	[sflag:s8] =	ssyncset.s32 @!p0 $0xFFFFF086;
	s6 =	sadd.s32 @!p0 s3, s7;
	s7 =	simm.s32 @!p0 $0x108  }
0x21: {  	s3 =	sadd.s32 s3, s9;
	s6 =	sadd.s32 @!p0 $0x88, s6;
	s7 =	simm.s32 @p2 $0x1082  }
0x22: {  	[simem:s7], [sflag:s8] =	dma.local @!p0 [hbm:s6], $0xF7A  }
0x23: {  	s9 =	sor.u32 $0xD0000000, s2;
	s6 =	simm.s32 $0x108;
	_ =	swait.ge @!p0 [sflag:s8], $0x0  }
0x24: {  	s3 =	sadd.s32 $0x88, s3;
	s6 =	simm.s32 @!p1 $0x1082;
	[sflag:s4] =	ssyncset.s32 $0xFFFFF086  }
0x25: {  	[simem:s6], [sflag:s4] =	dma.local [hbm:s3], $0xF7A  }
0x26: {  	[smem:$0x3F9B] =	sst s1;
	(tag) =	ssettag s2;
	_ =	strace s9  }
0x27: {  	s1 =	sld [smem:$0x3FAB]  }
0x28: {  	s2 =	sld [smem:$0x3FAC]  }
0x29: {  	s4 =	sld [smem:$0x3FAE]  }
0x2a: {  	p0 =	seq.s32 s5, $0x0;
	s5 =	sld [smem:$0x3FAF]  }
0x2b: {  	s6 =	sld [smem:$0x3FB0]  }
0x2c: {  	s7 =	sld [smem:$0x3FB1]  }
0x2d: {  	s3 =	simm.s32 $0x108;
	s8 =	sld [smem:$0x3FB2]  }
0x2e: {  	s3 =	simm.s32 @!p0 $0x1082;
	s9 =	sld [smem:$0x3FB3]  }
0x2f: {  	lr =	sadd.s32 s0, s3;
	s0 =	sld [smem:$0x3FAA]  }
0x30: {  	s3 =	sld [smem:$0x3FAD]  }
0x31: {  	[smem:$0x3FB6] =	sst s10  }
0x32: {  	s10 =	sld [smem:$0x3FB4];
	_ =	sdelay $0x3  }
0x33: {  	p0 =	seq.s32 s10, $0x1;
	s10 =	sld [smem:$0x3FB6];
	_ =	sdelay $0x3  }
0x34: {  	[smem:$0x3FB6] =	sst s10  }
0x35: {  	s10 =	sld [smem:$0x3FB5];
	_ =	sdelay $0x3  }
0x36: {  	p1 =	seq.s32 s10, $0x1;
	s10 =	sld [smem:$0x3FB6];
	_ =	sdelay $0x3  }
0x37: {  	[smem:$0x3FB6] =	sst s10  }
0x38: {  	s10 =	sld [smem:$0x3FB7]  }
0x39: {  	_ = 	snop;
	(pc) =	sbr.ind lr, $3  }
0x3a: {  	_ = 	snop  }
0x3b: {  	_ = 	snop  }
0x3c: {  	p2 =	seq.s32 s10, $0x1;
	s10 =	sld [smem:$0x3FB6]  }
0x3d: {  	_ =	shalt  }
0x3e: {  	_ =	shalt  }
0x3f: {  	_ =	shalt  }
0x40: {  	_ =	shalt  }
0x41: {  	_ =	shalt  }
0x42: {  	_ =	shalt  }
0x43: {  	_ =	shalt  }
0x44: {  	_ =	shalt  }
0x45: {  	_ =	shalt  }
0x46: {  	_ =	shalt  }
0x47: {  	_ =	shalt  }
0x48: {  	_ =	shalt  }
0x49: {  	_ =	shalt  }
0x4a: {  	_ =	shalt  }
0x4b: {  	_ =	shalt  }
0x4c: {  	_ =	shalt  }
0x4d: {  	_ =	shalt  }
0x4e: {  	_ =	shalt  }
0x4f: {  	_ =	shalt  }
0x50: {  	_ =	shalt  }
0x51: {  	_ =	shalt  }
0x52: {  	_ =	shalt  }
0x53: {  	_ =	shalt  }
0x54: {  	_ =	shalt  }
0x55: {  	_ =	shalt  }
0x56: {  	_ =	shalt  }
0x57: {  	_ =	shalt  }
0x58: {  	_ =	shalt  }
0x59: {  	_ =	shalt  }
0x5a: {  	_ =	shalt  }
0x5b: {  	_ =	shalt  }
0x5c: {  	_ =	shalt  }
0x5d: {  	_ =	shalt  }
0x5e: {  	_ =	shalt  }
0x5f: {  	_ =	shalt  }
0x60: {  	_ =	shalt  }
0x61: {  	_ =	shalt  }
0x62: {  	_ =	shalt  }
0x63: {  	_ =	shalt  }
0x64: {  	_ =	shalt  }
0x65: {  	_ =	shalt  }
0x66: {  	_ =	shalt  }
0x67: {  	_ =	shalt  }
0x68: {  	_ =	shalt  }
0x69: {  	_ =	shalt  }
0x6a: {  	_ =	shalt  }
0x6b: {  	_ =	shalt  }
0x6c: {  	_ =	shalt  }
0x6d: {  	_ =	shalt  }
0x6e: {  	_ =	shalt  }
0x6f: {  	_ =	shalt  }
0x70: {  	_ =	shalt  }
0x71: {  	_ =	shalt  }
0x72: {  	_ =	shalt  }
0x73: {  	_ =	shalt  }
0x74: {  	_ =	shalt  }
0x75: {  	_ =	shalt  }
0x76: {  	_ =	shalt  }
0x77: {  	_ =	shalt  }
0x78: {  	_ =	shalt  }
0x79: {  	_ =	shalt  }
0x7a: {  	_ =	shalt  }
0x7b: {  	_ =	shalt  }
0x7c: {  	_ =	shalt  }
0x7d: {  	_ =	shalt  }
0x7e: {  	_ =	shalt  }
0x7f: {  	_ =	shalt  }
0x80: {  	_ =	shalt  }
0x81: {  	_ =	shalt  }
0x82: {  	_ =	shalt  }
0x83: {  	_ =	shalt  }
0x84: {  	_ =	shalt  }
0x85: {  	_ =	shalt  }
0x86: {  	_ =	shalt  }
0x87: {  	_ =	shalt  }
.Lfunc_end0:
.L_simem_size_0:
called_computation.1_lowered:
.L_overlay_start_0:
0x88: {  	s2 =	sld [smem:$0x3FD9]  }
0x89: {  	s3 =	sld [smem:$0x3FFE];
	_ =	sdelay $0x1  }
0x8a: {  	s1 =	srdreg.scid  }
0x8b: {  	s0 =	sand.u32 $0x1, s1  }
0x8c: {  	s17 =	sshll.u32 s0, $0xA;
	s2 =	sadd.s32 s3, s2  }
0x8d: {  	s2 =	sadd.s32 s2, s17  }
0x8e: {  	[smem:$0x3FC2] =	sst s2  }
0x8f: {  	_ = 	snop  }
0x90: {  	s2 =	sld [smem:$0x3FD0];
	(tm) =	ssettm $0x1  }
0x91: {  	s18 =	sld [smem:$0x3FFB];
	_ =	sdelay $0x3  }
0x92: {  	_ =	strace s18  }
0x93: {  	s3 =	sld [smem:$0x3FFC];
	_ =	sdelay $0x3  }
0x94: {  	_ =	strace s3  }
0x95: {  	s3 =	sld [smem:$0x3FFD];
	_ =	sdelay $0x3  }
0x96: {  	_ =	strace s3  }
0x97: {  	_ =	strace $0x8FFFFFFF  }
0x98: {  	s19 =	sld [smem:$0x3FDB];
	_ =	sdelay $0x1  }
0x99: {  	s4 =	simm.s32 $_scs_section_size  }
0x9a: {  	s5 =	simm.s32 $_size__tile_overlayer_lowered;
	s6 =	simm.s32 $_tile_overlayer_lowered  }
0x9b: {  	s22 =	simm.s32 $0x1BFF;
	s21 =	sshll.u32 s6, $0x1;
	s3 =	sadd.s32 s4, s19  }
0x9c: {  	s7 =	simm.s32 $0x0;
	s20 =	sshll.u32 s5, $0x1;
	s5 =	sadd.s32 s21, s3  }
0x9d: {  	[timem:s7], [sflag:s22] =	dma.local [hbm:s5], s20  }
0x9e: {  	_ =	swait.ge [sflag:s22], s20  }
0x9f: {  	s4 =	ssub.s32 $0x0, s20;
	[sflag:s22] =	ssyncset.done $0x0  }
0xa0: {  	[sflag:s22] =	ssyncadd.s32 s4;
	_ =	sdelay $0x1  }
0xa1: {  	s23 =	simm.s32 $0x1B8B  }
0xa2: {  	_ =	swait.ge [sflag:s23], $0x1  }
0xa3: {  	[sflag:s23] =	ssyncset.done $0x0  }
0xa4: {  	s25 =	simm.s32 $0x1B8E;
	s24 =	sld [smem:$0x3FFE];
	[sflag:s23] =	ssyncadd.s32 $0xFFFFFFFF  }
0xa5: {  	s26 =	simm.s32 $execute0_lowered;
	[smem:$0x3FD2] =	sst s25  }
0xa6: {  	s5 =	sshll.u32 s26, $0x1;
	_ =	strace $0x80000049;
	[dreg:$0x1] =	wrdreg $0xFFFFFFFF  }
0xa7: {  	s28 =	simm.s32 $_size_execute0_lowered;
	s3 =	sadd.s32 s3, s5;
	[dreg:$0x0] =	wrdreg $0x0  }
0xa8: {  	s5 =	sshll.u32 s28, $0x1;
	[dreg:$0x2] =	wrdreg s3  }
0xa9: {  	[dreg:$0x3] =	wrdreg s5  }
0xaa: {  	[dreg:$0x4] =	wrdreg $0xC0  }
0xab: {  	_ =	task [dreg:s7], $0x5FFFF  }
0xac: {  	[dreg:$0x1] =	wrdreg $0xFFFFFFFF  }
0xad: {  	[dreg:$0x0] =	wrdreg $0x60  }
0xae: {  	[dreg:$0x2] =	wrdreg s24  }
0xaf: {  	[dreg:$0x3] =	wrdreg s2  }
0xb0: {  	[dreg:$0x4] =	wrdreg $0x68000  }
0xb1: {  	[dreg:$0x5] =	wrdreg $0x9  }
0xb2: {  	_ =	task.clear_ibuf [dreg:s7], $0x6FFFF;
	_ =	strace $0x90000049  }
0xb3: {  	s29 =	simm.s32 $0x9;
	_ =	strace $0x8000004B  }
0xb4: {  	_ =	swait.ge [sflag:s29], $0x1  }
0xb5: {  	[sflag:s29] =	ssyncadd.s32 $0xFFFFFFFF  }
0xb6: {  	_ =	strace $0x9000004B  }
0xb7: {  	_ =	sfence  }
0xb8: {  	s30 =	sld [smem:$0x0];
	_ =	sdelay $0x2  }
0xb9: {  	s31 =	sshll.u32 s1, $0xD;
	s1 =	sshrl.u32 s1, $0x2  }
0xba: {  	s3 =	sand.u32 $0x4000, s31;
	s1 =	sadd.s32 s1, s30  }
0xbb: {  	s0 =	sor.u32 s3, s0;
	s1 =	sshll.u32 s1, $0x11  }
0xbc: {  	s0 =	sor.u32 s1, s0  }
0xbd: {  	s0 =	sadd.s32 $0x8F2B, s0  }
0xbe: {  	[sflag:s0] =	ssyncadd.remote.s32 $0x1  }
0xbf: {  	_ =	sfence.sel $0xFFFF  }
0xc0: {  	[dreg:$0x0] =	wrdreg $0xFFFFFFFF;
	(pc) =	sbr.abs _section_cstart, $3  }
0xc1: {  	[dreg:$0x1] =	wrdreg $0xFFFFFFFF  }
0xc2: {  	_ =	task.clear_ibuf [dreg:s7], $0x2FFFF;
	_ =	strace $0x9FFFFFFF  }
0xc3: {  	(tm) =	ssettm $0x7FFFFFFF  }
tec
execute0_lowered:
.L_overlay_start_1:
0x0: {  	(tag) =	ssettag $0x1  }
0x1: {  	s5 =	rddreg [dreg:$0x0]  }
0x2: {  	s12 =	rddreg [dreg:$0x1]  }
0x3: {  	s2 =	rddreg [dreg:$0x2]  }
0x4: {  	s0 =	rddreg [dreg:$0x3]  }
0x5: {  	s4 =	srdreg.scid;
	s1 =	stileid.u32  }
0x6: {  	s3 =	simm.s32 $0x0;
	s17 =	simm.s32 $0x3;
	s18 =	simm.s32 $0x1400  }
0x7: {  	s19 =	simm.s32 $0x80;
	s20 =	simm.s32 $0x4800;
	s21 =	simm.s32 $0x1  }
0x8: {  	s22 =	simm.s32 $0x2;
	s23 =	simm.s32 $0x1380;
	s24 =	simm.s32 $0x2700  }
0x9: {  	s6 =	sand.u32 $0x1, s4;
	s7 =	smul.u32 $0x14000, s1;
	[smem:$0x7FF] =	sst s3  }
0xa: {  	s4 =	sadd.s32 $0x65A00, s5;
	s13 =	sadd.s32 $0x1A00, s5;
	s10 =	smul.u32 $0x28000, s1  }
0xb: {  	s26 =	sshll.u32 s1, $0x1;
	s8 =	smul.u32 $0x140000, s6;
	s9 =	ssub.s32 $0x2, s6  }
0xc: {  	_ =	strace $0x8000004A;
	s25 =	sshrl.u32 s9, $0x1;
	s28 =	sshrl.u32 s10, $0x2  }
0xd: {  	s29 =	sshrl.u32 s7, $0x1;
	s8 =	sadd.s32 s7, s8;
	s15 =	ssub.s32 s9, s25  }
0xe: {  	s30 =	sadd.s32 s28, s2;
	s25 =	simm.s32 $0x2780;
	s8 =	sshrl.u32 s8, $0x4  }
0xf: {  	s7 =	sadd.s32 $0x4000, s30;
	s14 =	sadd.s32 s8, s5;
	s8 =	sor.u32 s6, s26  }
0x10: {  	s9 =	sadd.s32 $0x8000, s30;
	s15 =	smax.u32 s15, $0x1;
	s31 =	smul.u32 $0x2800, s8  }
0x11: {  	s5 =	sadd.s32 s29, s2;
	s6 =	sadd.s32 $0x2000, s30;
	s11 =	smul.u32 $0x500, s8  }
0x12: {  	s8 =	sadd.s32 $0x6000, s30;
	s14 =	sadd.s32 $0x79A00, s14;
	s16 =	sshrl.u32 s31, $0x3  }
0x13: {  	s10 =	sadd.s32 s12, s11;
	s11 =	sadd.s32 s13, s11;
	s16 =	sadd.s32 $0x280, s16  }
0x14: {  	v0 =	vimm.bf16 $0.0e+00;
	s12 =	sadd.s32 s12, s16;
	s13 =	sadd.s32 s13, s16;
	s16 =	simm.s32 $0x2800  }
.LBB2_1:
0x15: {  	s28 =	simm.s32 $0x100;
	s26 =	simm.s32 $0x0  }
.LBB2_2:
0x16: {  	p0 =	sne.s32 s28, $0x7F00;
	[tilespmem:s26+$0x2830] =	vst v0;
	s29 =	smov.u32 s28;
	s28 =	sadd.s32 $0x100, s28  }
.Ltmp0:
0x17: {  	[tilespmem:s26+$0x2820] =	vst v0;
	(pc) =	sbr.rel @p0 .LBB2_2-.Ltmp0, $3  }
0x18: {  	[tilespmem:s26+$0x2800] =	vst v0  }
0x19: {  	[tilespmem:s26+$0x2810] =	vst v0;
	_ =	sdelay $0x1  }
0x1a: {  	s26 =	sshra.s32 s29, $0x2  }
0x1b: {  	[tilespmem:s26+$0x2830] =	vst v0  }
0x1c: {  	[tilespmem:s26+$0x2820] =	vst v0  }
0x1d: {  	[tilespmem:s26+$0x2800] =	vst v0  }
0x1e: {  	[tilespmem:s26+$0x2810] =	vst v0  }
0x1f: {  	[spmem:s5] =	stream.linear.scatter [tilespmem:s16], [sflag:$0x3], $0x2000, $0x38;
	[tilespmem:$0x10800] =	vst v63  }
0x20: {  	_ =	swait.ge [sflag:s17], $0x2000  }
0x21: {  	[sflag:s17] =	ssyncset.done $0x0  }
0x22: {  	[sflag:s17] =	ssyncadd.s32 $0xFFFFE000  }
0x23: {  	[spmem:s6] =	stream.linear.scatter [tilespmem:s16], [sflag:$0x3], $0x2000, $0x38;
	[tilespmem:$0x10800] =	vst v63  }
0x24: {  	_ =	swait.ge [sflag:s17], $0x2000  }
0x25: {  	[sflag:s17] =	ssyncset.done $0x0  }
0x26: {  	[sflag:s17] =	ssyncadd.s32 $0xFFFFE000  }
0x27: {  	[spmem:s7] =	stream.linear.scatter [tilespmem:s16], [sflag:$0x3], $0x2000, $0x38;
	[tilespmem:$0x10800] =	vst v63  }
0x28: {  	_ =	swait.ge [sflag:s17], $0x2000  }
0x29: {  	[sflag:s17] =	ssyncset.done $0x0  }
0x2a: {  	[sflag:s17] =	ssyncadd.s32 $0xFFFFE000  }
0x2b: {  	[spmem:s8] =	stream.linear.scatter [tilespmem:s16], [sflag:$0x3], $0x2000, $0x38;
	[tilespmem:$0x10800] =	vst v63  }
0x2c: {  	_ =	swait.ge [sflag:s17], $0x2000  }
0x2d: {  	[sflag:s17] =	ssyncset.done $0x0  }
0x2e: {  	[sflag:s17] =	ssyncadd.s32 $0xFFFFE000  }
0x2f: {  	[spmem:s9] =	stream.linear.scatter [tilespmem:s16], [sflag:$0x3], $0x2000, $0x38;
	[tilespmem:$0x10800] =	vst v63  }
0x30: {  	_ =	swait.ge [sflag:s17], $0x2000  }
0x31: {  	[sflag:s17] =	ssyncset.done $0x0  }
0x32: {  	[sflag:s17] =	ssyncadd.s32 $0xFFFFE000  }
0x33: {  	s30 =	simm.s32 $0x0;
	[bflag:$0x0] =	sbarrier.arrive $0xFFFF  }
0x34: {  	[tilespmem:s30], [sflag:$0x3] =	stream.linear.gather [hbm4b:s10+s30], $0x1400, $0x38;
	[tilespmem:$0x10800] =	vst v63  }
0x35: {  	_ =	swait.ge [sflag:s17], $0x1400  }
0x36: {  	[sflag:s17] =	ssyncset.done $0x0  }
0x37: {  	[sflag:s17] =	ssyncadd.s32 $0xFFFFEC00  }
0x38: {  	[tilespmem:s18], [sflag:$0x3] =	stream.linear.gather [hbm4b:s11+s30], $0x1400, $0x38;
	[tilespmem:$0x10800] =	vst v63  }
0x39: {  	_ =	swait.ge [sflag:s17], $0x1400  }
0x3a: {  	[sflag:s17] =	ssyncset.done $0x0  }
0x3b: {  	[sflag:s17] =	ssyncadd.s32 $0xFFFFEC00  }
0x3c: {  	[tilespmem:s16], [sflag:$0x1] =	stream.indirect.gather [hbm4b:s4+s19], $0x40, s30, s19, $0xb8;
	[tilespmem:$0x10800] =	vst v63  }
0x3d: {  	s31 =	simm.s32 $0x80  }
0x3e: {  	[tilespmem:s20], [sflag:$0x2] =	stream.indirect.gather [hbm4b:s4+s19], $0x40, s31, s19, $0xb8;
	[tilespmem:$0x10800] =	vst v63  }
0x3f: {  	_ =	swait.ge [sflag:s21], $0x2000  }
0x40: {  	[sflag:s21] =	ssyncset.done $0x0  }
0x41: {  	s29 =	simm.s32 $0x1400;
	[sflag:s21] =	ssyncadd.s32 $0xFFFFE000  }
0x42: {  	[spmem:s2] =	stream.indirect.scatter.add.bf16 [tilespmem:s16], [sflag:$0x3], $0x40, s29, s19, $0xb8;
	[tilespmem:$0x10800] =	vst v63  }
0x43: {  	_ =	swait.ge [sflag:s17], $0x2000  }
0x44: {  	[sflag:s17] =	ssyncset.done $0x0  }
0x45: {  	s30 =	simm.s32 $0x100;
	[sflag:s17] =	ssyncadd.s32 $0xFFFFE000  }
0x46: {  	[tilespmem:s16], [sflag:$0x1] =	stream.indirect.gather [hbm4b:s4+s19], $0x40, s30, s19, $0xb8;
	[tilespmem:$0x10800] =	vst v63  }
0x47: {  	_ =	swait.ge [sflag:s22], $0x2000  }
0x48: {  	[sflag:s22] =	ssyncset.done $0x0  }
0x49: {  	s31 =	simm.s32 $0x1480;
	[sflag:s22] =	ssyncadd.s32 $0xFFFFE000  }
0x4a: {  	[spmem:s2] =	stream.indirect.scatter.add.bf16 [tilespmem:s20], [sflag:$0x3], $0x40, s31, s19, $0xb8;
	[tilespmem:$0x10800] =	vst v63  }
0x4b: {  	_ =	swait.ge [sflag:s17], $0x2000  }
0x4c: {  	s28 =	simm.s32 $0x800;
	s26 =	simm.s32 $0x100;
	[sflag:s17] =	ssyncset.done $0x0  }
.LBB2_4:
0x4d: {  	s29 =	sadd.s32 $0x80, s26  }
0x4e: {  	[sflag:s17] =	ssyncadd.s32 $0xFFFFE000;
	s30 =	smov.u32 s28;
	s31 =	sadd.s32 $0x400, s28  }
0x4f: {  	[tilespmem:s20], [sflag:$0x2] =	stream.indirect.gather [hbm4b:s4+s19], $0x40, s29, s19, $0xb8;
	[tilespmem:$0x10800] =	vst v63  }
0x50: {  	p0 =	sne.s32 s28, $0x4800;
	_ =	swait.ge [sflag:s21], $0x2000  }
0x51: {  	[sflag:s21] =	ssyncset.done $0x0  }
0x52: {  	s28 =	sadd.s32 $0x1400, s26;
	[sflag:s21] =	ssyncadd.s32 $0xFFFFE000  }
0x53: {  	[spmem:s2] =	stream.indirect.scatter.add.bf16 [tilespmem:s16], [sflag:$0x3], $0x40, s28, s19, $0xb8;
	[tilespmem:$0x10800] =	vst v63  }
0x54: {  	_ =	swait.ge [sflag:s17], $0x2000  }
0x55: {  	[sflag:s17] =	ssyncset.done $0x0  }
0x56: {  	s28 =	sadd.s32 $0x100, s26;
	[sflag:s17] =	ssyncadd.s32 $0xFFFFE000  }
0x57: {  	[tilespmem:s16], [sflag:$0x1] =	stream.indirect.gather [hbm4b:s4+s19], $0x40, s28, s19, $0xb8;
	[tilespmem:$0x10800] =	vst v63  }
0x58: {  	_ =	swait.ge [sflag:s22], $0x2000  }
.Ltmp1:
0x59: {  	[sflag:s22] =	ssyncset.done $0x0;
	(pc) =	sbr.rel @p0 .LBB2_4-.Ltmp1, $4  }
0x5a: {  	s26 =	sadd.s32 $0x1480, s26;
	[sflag:s22] =	ssyncadd.s32 $0xFFFFE000  }
0x5b: {  	[spmem:s2] =	stream.indirect.scatter.add.bf16 [tilespmem:s20], [sflag:$0x3], $0x40, s26, s19, $0xb8;
	[tilespmem:$0x10800] =	vst v63  }
0x5c: {  	_ =	swait.ge [sflag:s17], $0x2000  }
0x5d: {  	s28 =	smov.u32 s31;
	s26 =	sshra.s32 s30, $0x2;
	[sflag:s17] =	ssyncset.done $0x0  }
0x5e: {  	s28 =	sadd.s32 $0x80, s26;
	[sflag:s17] =	ssyncadd.s32 $0xFFFFE000  }
0x5f: {  	[tilespmem:s20], [sflag:$0x2] =	stream.indirect.gather [hbm4b:s4+s19], $0x40, s28, s19, $0xb8;
	[tilespmem:$0x10800] =	vst v63  }
0x60: {  	_ =	swait.ge [sflag:s21], $0x2000  }
0x61: {  	[sflag:s21] =	ssyncset.done $0x0  }
0x62: {  	s28 =	sadd.s32 $0x1400, s26;
	[sflag:s21] =	ssyncadd.s32 $0xFFFFE000  }
0x63: {  	[spmem:s2] =	stream.indirect.scatter.add.bf16 [tilespmem:s16], [sflag:$0x3], $0x40, s28, s19, $0xb8;
	[tilespmem:$0x10800] =	vst v63  }
0x64: {  	_ =	swait.ge [sflag:s17], $0x2000  }
0x65: {  	[sflag:s17] =	ssyncset.done $0x0  }
0x66: {  	s28 =	sadd.s32 $0x100, s26;
	[sflag:s17] =	ssyncadd.s32 $0xFFFFE000  }
0x67: {  	[tilespmem:s16], [sflag:$0x1] =	stream.indirect.gather [hbm4b:s4+s19], $0x40, s28, s19, $0xb8;
	[tilespmem:$0x10800] =	vst v63  }
0x68: {  	_ =	swait.ge [sflag:s22], $0x2000  }
0x69: {  	[sflag:s22] =	ssyncset.done $0x0  }
0x6a: {  	s29 =	sadd.s32 $0x1480, s26;
	[sflag:s22] =	ssyncadd.s32 $0xFFFFE000  }
0x6b: {  	[spmem:s2] =	stream.indirect.scatter.add.bf16 [tilespmem:s20], [sflag:$0x3], $0x40, s29, s19, $0xb8;
	[tilespmem:$0x10800] =	vst v63  }
0x6c: {  	_ =	swait.ge [sflag:s17], $0x2000  }
0x6d: {  	[sflag:s17] =	ssyncset.done $0x0  }
0x6e: {  	[sflag:s17] =	ssyncadd.s32 $0xFFFFE000  }
0x6f: {  	[tilespmem:s20], [sflag:$0x2] =	stream.indirect.gather [hbm4b:s4+s19], $0x40, s23, s19, $0xb8;
	[tilespmem:$0x10800] =	vst v63  }
0x70: {  	_ =	swait.ge [sflag:s21], $0x2000  }
0x71: {  	[sflag:s21] =	ssyncset.done $0x0  }
0x72: {  	[sflag:s21] =	ssyncadd.s32 $0xFFFFE000  }
0x73: {  	[spmem:s2] =	stream.indirect.scatter.add.bf16 [tilespmem:s16], [sflag:$0x3], $0x40, s24, s19, $0xb8;
	[tilespmem:$0x10800] =	vst v63  }
0x74: {  	_ =	swait.ge [sflag:s17], $0x2000  }
0x75: {  	[sflag:s17] =	ssyncset.done $0x0  }
0x76: {  	[sflag:s17] =	ssyncadd.s32 $0xFFFFE000  }
0x77: {  	_ =	swait.ge [sflag:s22], $0x2000  }
0x78: {  	[sflag:s22] =	ssyncset.done $0x0  }
0x79: {  	[sflag:s22] =	ssyncadd.s32 $0xFFFFE000  }
0x7a: {  	[spmem:s2] =	stream.indirect.scatter.add.bf16 [tilespmem:s20], [sflag:$0x3], $0x40, s25, s19, $0xb8;
	[tilespmem:$0x10800] =	vst v63  }
0x7b: {  	_ =	swait.ge [sflag:s17], $0x2000  }
0x7c: {  	[sflag:s17] =	ssyncset.done $0x0  }
0x7d: {  	s30 =	simm.s32 $0x0;
	[sflag:s17] =	ssyncadd.s32 $0xFFFFE000  }
0x7e: {  	[tilespmem:s30], [sflag:$0x3] =	stream.linear.gather [hbm4b:s12+s30], $0x1400, $0x38;
	[tilespmem:$0x10800] =	vst v63  }
0x7f: {  	_ =	swait.ge [sflag:s17], $0x1400  }
0x80: {  	[sflag:s17] =	ssyncset.done $0x0  }
0x81: {  	[sflag:s17] =	ssyncadd.s32 $0xFFFFEC00  }
0x82: {  	[tilespmem:s18], [sflag:$0x3] =	stream.linear.gather [hbm4b:s13+s30], $0x1400, $0x38;
	[tilespmem:$0x10800] =	vst v63  }
0x83: {  	_ =	swait.ge [sflag:s17], $0x1400  }
0x84: {  	[sflag:s17] =	ssyncset.done $0x0  }
0x85: {  	[sflag:s17] =	ssyncadd.s32 $0xFFFFEC00  }
0x86: {  	[tilespmem:s16], [sflag:$0x1] =	stream.indirect.gather [hbm4b:s4+s19], $0x40, s30, s19, $0xb8;
	[tilespmem:$0x10800] =	vst v63  }
0x87: {  	s31 =	simm.s32 $0x80  }
0x88: {  	[tilespmem:s20], [sflag:$0x2] =	stream.indirect.gather [hbm4b:s4+s19], $0x40, s31, s19, $0xb8;
	[tilespmem:$0x10800] =	vst v63  }
0x89: {  	_ =	swait.ge [sflag:s21], $0x2000  }
0x8a: {  	[sflag:s21] =	ssyncset.done $0x0  }
0x8b: {  	s29 =	simm.s32 $0x1400;
	[sflag:s21] =	ssyncadd.s32 $0xFFFFE000  }
0x8c: {  	[spmem:s2] =	stream.indirect.scatter.add.bf16 [tilespmem:s16], [sflag:$0x3], $0x40, s29, s19, $0xb8;
	[tilespmem:$0x10800] =	vst v63  }
0x8d: {  	_ =	swait.ge [sflag:s17], $0x2000  }
0x8e: {  	[sflag:s17] =	ssyncset.done $0x0  }
0x8f: {  	s30 =	simm.s32 $0x100;
	[sflag:s17] =	ssyncadd.s32 $0xFFFFE000  }
0x90: {  	[tilespmem:s16], [sflag:$0x1] =	stream.indirect.gather [hbm4b:s4+s19], $0x40, s30, s19, $0xb8;
	[tilespmem:$0x10800] =	vst v63  }
0x91: {  	_ =	swait.ge [sflag:s22], $0x2000  }
0x92: {  	[sflag:s22] =	ssyncset.done $0x0  }
0x93: {  	s31 =	simm.s32 $0x1480;
	[sflag:s22] =	ssyncadd.s32 $0xFFFFE000  }
0x94: {  	[spmem:s2] =	stream.indirect.scatter.add.bf16 [tilespmem:s20], [sflag:$0x3], $0x40, s31, s19, $0xb8;
	[tilespmem:$0x10800] =	vst v63  }
0x95: {  	_ =	swait.ge [sflag:s17], $0x2000  }
0x96: {  	s26 =	simm.s32 $0x100;
	s28 =	simm.s32 $0x800;
	[sflag:s17] =	ssyncset.done $0x0  }
.LBB2_6:
0x97: {  	s29 =	sadd.s32 $0x80, s26  }
0x98: {  	[sflag:s17] =	ssyncadd.s32 $0xFFFFE000;
	s30 =	smov.u32 s28;
	s31 =	sadd.s32 $0x400, s28  }
0x99: {  	[tilespmem:s20], [sflag:$0x2] =	stream.indirect.gather [hbm4b:s4+s19], $0x40, s29, s19, $0xb8;
	[tilespmem:$0x10800] =	vst v63  }
0x9a: {  	p0 =	sne.s32 s28, $0x4800;
	_ =	swait.ge [sflag:s21], $0x2000  }
0x9b: {  	[sflag:s21] =	ssyncset.done $0x0  }
0x9c: {  	s28 =	sadd.s32 $0x1400, s26;
	[sflag:s21] =	ssyncadd.s32 $0xFFFFE000  }
0x9d: {  	[spmem:s2] =	stream.indirect.scatter.add.bf16 [tilespmem:s16], [sflag:$0x3], $0x40, s28, s19, $0xb8;
	[tilespmem:$0x10800] =	vst v63  }
0x9e: {  	_ =	swait.ge [sflag:s17], $0x2000  }
0x9f: {  	[sflag:s17] =	ssyncset.done $0x0  }
0xa0: {  	s28 =	sadd.s32 $0x100, s26;
	[sflag:s17] =	ssyncadd.s32 $0xFFFFE000  }
0xa1: {  	[tilespmem:s16], [sflag:$0x1] =	stream.indirect.gather [hbm4b:s4+s19], $0x40, s28, s19, $0xb8;
	[tilespmem:$0x10800] =	vst v63  }
0xa2: {  	_ =	swait.ge [sflag:s22], $0x2000  }
.Ltmp2:
0xa3: {  	[sflag:s22] =	ssyncset.done $0x0;
	(pc) =	sbr.rel @p0 .LBB2_6-.Ltmp2, $4  }
0xa4: {  	s26 =	sadd.s32 $0x1480, s26;
	[sflag:s22] =	ssyncadd.s32 $0xFFFFE000  }
0xa5: {  	[spmem:s2] =	stream.indirect.scatter.add.bf16 [tilespmem:s20], [sflag:$0x3], $0x40, s26, s19, $0xb8;
	[tilespmem:$0x10800] =	vst v63  }
0xa6: {  	_ =	swait.ge [sflag:s17], $0x2000  }
0xa7: {  	s28 =	smov.u32 s31;
	s26 =	sshra.s32 s30, $0x2;
	[sflag:s17] =	ssyncset.done $0x0  }
0xa8: {  	s28 =	sadd.s32 $0x80, s26;
	[sflag:s17] =	ssyncadd.s32 $0xFFFFE000  }
0xa9: {  	[tilespmem:s20], [sflag:$0x2] =	stream.indirect.gather [hbm4b:s4+s19], $0x40, s28, s19, $0xb8;
	[tilespmem:$0x10800] =	vst v63  }
0xaa: {  	_ =	swait.ge [sflag:s21], $0x2000  }
0xab: {  	[sflag:s21] =	ssyncset.done $0x0  }
0xac: {  	s30 =	sadd.s32 $0x1400, s26;
	[sflag:s21] =	ssyncadd.s32 $0xFFFFE000  }
0xad: {  	[spmem:s2] =	stream.indirect.scatter.add.bf16 [tilespmem:s16], [sflag:$0x3], $0x40, s30, s19, $0xb8;
	[tilespmem:$0x10800] =	vst v63  }
0xae: {  	_ =	swait.ge [sflag:s17], $0x2000  }
0xaf: {  	[sflag:s17] =	ssyncset.done $0x0  }
0xb0: {  	s31 =	sadd.s32 $0x100, s26;
	[sflag:s17] =	ssyncadd.s32 $0xFFFFE000  }
0xb1: {  	[tilespmem:s16], [sflag:$0x1] =	stream.indirect.gather [hbm4b:s4+s19], $0x40, s31, s19, $0xb8;
	[tilespmem:$0x10800] =	vst v63  }
0xb2: {  	_ =	swait.ge [sflag:s22], $0x2000  }
0xb3: {  	[sflag:s22] =	ssyncset.done $0x0  }
0xb4: {  	s29 =	sadd.s32 $0x1480, s26;
	[sflag:s22] =	ssyncadd.s32 $0xFFFFE000  }
0xb5: {  	[spmem:s2] =	stream.indirect.scatter.add.bf16 [tilespmem:s20], [sflag:$0x3], $0x40, s29, s19, $0xb8;
	[tilespmem:$0x10800] =	vst v63  }
0xb6: {  	_ =	swait.ge [sflag:s17], $0x2000  }
0xb7: {  	[sflag:s17] =	ssyncset.done $0x0  }
0xb8: {  	[sflag:s17] =	ssyncadd.s32 $0xFFFFE000  }
0xb9: {  	[tilespmem:s20], [sflag:$0x2] =	stream.indirect.gather [hbm4b:s4+s19], $0x40, s23, s19, $0xb8;
	[tilespmem:$0x10800] =	vst v63  }
0xba: {  	_ =	swait.ge [sflag:s21], $0x2000  }
0xbb: {  	[sflag:s21] =	ssyncset.done $0x0  }
0xbc: {  	[sflag:s21] =	ssyncadd.s32 $0xFFFFE000  }
0xbd: {  	[spmem:s2] =	stream.indirect.scatter.add.bf16 [tilespmem:s16], [sflag:$0x3], $0x40, s24, s19, $0xb8;
	[tilespmem:$0x10800] =	vst v63  }
0xbe: {  	_ =	swait.ge [sflag:s17], $0x2000  }
0xbf: {  	[sflag:s17] =	ssyncset.done $0x0  }
0xc0: {  	[sflag:s17] =	ssyncadd.s32 $0xFFFFE000  }
0xc1: {  	_ =	swait.ge [sflag:s22], $0x2000  }
0xc2: {  	[sflag:s22] =	ssyncset.done $0x0  }
0xc3: {  	[sflag:s22] =	ssyncadd.s32 $0xFFFFE000  }
0xc4: {  	[spmem:s2] =	stream.indirect.scatter.add.bf16 [tilespmem:s20], [sflag:$0x3], $0x40, s25, s19, $0xb8;
	[tilespmem:$0x10800] =	vst v63  }
0xc5: {  	_ =	swait.ge [sflag:s17], $0x2000  }
0xc6: {  	s3 =	sadd.s32 $0x1, s3;
	s30 =	sshll.u32 s1, $0x6;
	[sflag:s17] =	ssyncset.done $0x0  }
0xc7: {  	p0 =	sne.s32 s3, s15;
	s26 =	sor.u32 $0x1C03, s30;
	[sflag:s17] =	ssyncadd.s32 $0xFFFFE000  }
.Ltmp3:
0xc8: {  	s31 =	sshrl.u32 s5, $0x3;
	[bflag:$0x0] =	sbarrier.arrive $0xFFFF;
	(pc) =	sbr.rel @p0 .LBB2_1-.Ltmp3, $4  }
0xc9: {  	[hbm:s14], [sflag:s26] =	dma.local [spmem:s31], $0x1400  }
0xca: {  	_ =	swait.ge [sflag:s17], $0x1400  }
0xcb: {  	[sflag:s17] =	ssyncset.done $0x0  }
0xcc: {  	[sflag:s17] =	ssyncadd.s32 $0xFFFFEC00  }
0xcd: {  	_ =	sfence.sel $0x180000  }
0xce: {  	[bflag:$0x0] =	sbarrier.arrive $0xFFFF  }
0xcf: {  	p0 =	sne.s32 s1, $0x0;
	_ =	strace $0x9000004A  }
0xd0: {  	s0 =	sadd.s32 @!p0 $0x100000, s0;
	[bflag:$0x2] =	sbarrier.arrive $0xFFFF  }
0xd1: {  	[sflag:s0] =	ssyncadd.tile.s32 @!p0 $0x1;
	_ =	shalt  }
.Lfunc_end2:
_tile_overlayer_lowered:
.L_overlay_start_2:
0xd2: {  	(tag) =	ssettag $0x2  }
0xd3: {  	s0 =	rddreg [dreg:$0x0];
	s2 =	stileid.u32  }
0xd4: {  	s1 =	rddreg [dreg:$0x1];
	p0 =	sne.s32 s2, $0x0  }
0xd5: {  	s3 =	rddreg [dreg:$0x2];
	[bflag:$0x3] =	sbarrier.arrive $0xFFFF;
	s2 =	simm.s32 @!p0 $0x1C03  }
0xd6: {  	[timem:s3], [sflag:s2] =	dma.local @!p0 [hbm:s0], s1  }
0xd7: {  	s0 =	simm.s32 @!p0 $0x3  }
0xd8: {  	_ =	swait.ge @!p0 [sflag:s0], s1  }
0xd9: {  	s1 =	ssub.s32 @!p0 $0x0, s1;
	[sflag:s0] =	ssyncset.done @!p0 $0x0  }
0xda: {  	[sflag:s0] =	ssyncadd.s32 @!p0 s1  }
0xdb: {  	[bflag:$0x3] =	sbarrier.arrive $0xFFFF  }
0xdc: {  	_ =	shalt  }

// kernel: kernel.15.cloned.1.call-start
scs
__scs_entry_jumppad:
0x0: {  	(pc) =	sbr.rel $0x88, $3  }
0x1: {  	(tag) =	ssettag $0x0;
	lr =	simm.s32 $0x1  }
0x2: {  	[smem:$0x3F9B] =	sst lr;
	_ =	strace $0xD0000000  }
0x3: {  	_ = 	snop  }
0x4: {  	_ = 	snop  }
0x5: {  	_ = 	snop  }
0x6: {  	_ = 	snop  }
0x7: {  	_ = 	snop  }
__scs_overlays_trampoline_lowered:
0x8: {  	[smem:$0x3FAA] =	sst s0  }
0x9: {  	[smem:$0x3FAB] =	sst s1  }
0xa: {  	[smem:$0x3FAC] =	sst s2  }
0xb: {  	[smem:$0x3FAD] =	sst s3  }
0xc: {  	[smem:$0x3FAE] =	sst s4  }
0xd: {  	[smem:$0x3FAF] =	sst s5  }
0xe: {  	[smem:$0x3FB0] =	sst s6  }
0xf: {  	[smem:$0x3FB1] =	sst s7  }
0x10: {  	[smem:$0x3FB2] =	sst s8  }
0x11: {  	[smem:$0x3FB3] =	sst s9;
	s0 =	simm.s32 @!p0 $0x0  }
0x12: {  	s1 =	sld [smem:$0x3F99];
	s0 =	simm.s32 @p0 $0x1  }
0x13: {  	[smem:$0x3FB4] =	sst s0;
	s0 =	simm.s32 @!p1 $0x0  }
0x14: {  	s2 =	sld [smem:$0x3F98];
	s0 =	simm.s32 @p1 $0x1  }
0x15: {  	[smem:$0x3FB5] =	sst s0;
	s0 =	simm.s32 @!p2 $0x0  }
0x16: {  	s3 =	sld [smem:$0x3FDB];
	s0 =	simm.s32 @p2 $0x1  }
0x17: {  	s4 =	simm.s32 $0x1BF5;
	[smem:$0x3FB7] =	sst s0  }
0x18: {  	s0 =	sld [smem:$0x3F9A];
	_ =	swait.ge [sflag:s4], $0x0  }
0x19: {  	s7 =	sld [smem:$0x3F9B]  }
0x1a: {  	s8 =	sadd.s32 $0xFFFFE003, lr  }
0x1b: {  	s9 =	sadd.s32 $0xFFFFFEF7, lr;
	s5 =	simm.s32 $0xFFFFFFFF;
	p2 =	slt.u32 s8, $0xFFFFF086  }
0x1c: {  	p1 =	slt.u32 s9, $0xF7A;
	s5 =	simm.s32 @!p2 $0x0  }
0x1d: {  	s5 =	simm.s32 @p1 $0x1;
	p0 =	seq.s32 s7, s2  }
0x1e: {  	s7 =	smul.u32 @!p0 $0xF7A, s2;
	p2 =	seq.s32 @!p0 s5, $0x0  }
0x1f: {  	s9 =	smul.u32 $0xF7A, s1;
	s8 =	simm.s32 @!p0 $0x1BF5;
	p2 =	por !p2, p0  }
0x20: {  	[sflag:s8] =	ssyncset.s32 @!p0 $0xFFFFF086;
	s6 =	sadd.s32 @!p0 s3, s7;
	s7 =	simm.s32 @!p0 $0x108  }
0x21: {  	s3 =	sadd.s32 s3, s9;
	s6 =	sadd.s32 @!p0 $0x88, s6;
	s7 =	simm.s32 @p2 $0x1082  }
0x22: {  	[simem:s7], [sflag:s8] =	dma.local @!p0 [hbm:s6], $0xF7A  }
0x23: {  	s9 =	sor.u32 $0xD0000000, s2;
	s6 =	simm.s32 $0x108;
	_ =	swait.ge @!p0 [sflag:s8], $0x0  }
0x24: {  	s3 =	sadd.s32 $0x88, s3;
	s6 =	simm.s32 @!p1 $0x1082;
	[sflag:s4] =	ssyncset.s32 $0xFFFFF086  }
0x25: {  	[simem:s6], [sflag:s4] =	dma.local [hbm:s3], $0xF7A  }
0x26: {  	[smem:$0x3F9B] =	sst s1;
	(tag) =	ssettag s2;
	_ =	strace s9  }
0x27: {  	s1 =	sld [smem:$0x3FAB]  }
0x28: {  	s2 =	sld [smem:$0x3FAC]  }
0x29: {  	s4 =	sld [smem:$0x3FAE]  }
0x2a: {  	p0 =	seq.s32 s5, $0x0;
	s5 =	sld [smem:$0x3FAF]  }
0x2b: {  	s6 =	sld [smem:$0x3FB0]  }
0x2c: {  	s7 =	sld [smem:$0x3FB1]  }
0x2d: {  	s3 =	simm.s32 $0x108;
	s8 =	sld [smem:$0x3FB2]  }
0x2e: {  	s3 =	simm.s32 @!p0 $0x1082;
	s9 =	sld [smem:$0x3FB3]  }
0x2f: {  	lr =	sadd.s32 s0, s3;
	s0 =	sld [smem:$0x3FAA]  }
0x30: {  	s3 =	sld [smem:$0x3FAD]  }
0x31: {  	[smem:$0x3FB6] =	sst s10  }
0x32: {  	s10 =	sld [smem:$0x3FB4];
	_ =	sdelay $0x3  }
0x33: {  	p0 =	seq.s32 s10, $0x1;
	s10 =	sld [smem:$0x3FB6];
	_ =	sdelay $0x3  }
0x34: {  	[smem:$0x3FB6] =	sst s10  }
0x35: {  	s10 =	sld [smem:$0x3FB5];
	_ =	sdelay $0x3  }
0x36: {  	p1 =	seq.s32 s10, $0x1;
	s10 =	sld [smem:$0x3FB6];
	_ =	sdelay $0x3  }
0x37: {  	[smem:$0x3FB6] =	sst s10  }
0x38: {  	s10 =	sld [smem:$0x3FB7]  }
0x39: {  	_ = 	snop;
	(pc) =	sbr.ind lr, $3  }
0x3a: {  	_ = 	snop  }
0x3b: {  	_ = 	snop  }
0x3c: {  	p2 =	seq.s32 s10, $0x1;
	s10 =	sld [smem:$0x3FB6]  }
0x3d: {  	_ =	shalt  }
0x3e: {  	_ =	shalt  }
0x3f: {  	_ =	shalt  }
0x40: {  	_ =	shalt  }
0x41: {  	_ =	shalt  }
0x42: {  	_ =	shalt  }
0x43: {  	_ =	shalt  }
0x44: {  	_ =	shalt  }
0x45: {  	_ =	shalt  }
0x46: {  	_ =	shalt  }
0x47: {  	_ =	shalt  }
0x48: {  	_ =	shalt  }
0x49: {  	_ =	shalt  }
0x4a: {  	_ =	shalt  }
0x4b: {  	_ =	shalt  }
0x4c: {  	_ =	shalt  }
0x4d: {  	_ =	shalt  }
0x4e: {  	_ =	shalt  }
0x4f: {  	_ =	shalt  }
0x50: {  	_ =	shalt  }
0x51: {  	_ =	shalt  }
0x52: {  	_ =	shalt  }
0x53: {  	_ =	shalt  }
0x54: {  	_ =	shalt  }
0x55: {  	_ =	shalt  }
0x56: {  	_ =	shalt  }
0x57: {  	_ =	shalt  }
0x58: {  	_ =	shalt  }
0x59: {  	_ =	shalt  }
0x5a: {  	_ =	shalt  }
0x5b: {  	_ =	shalt  }
0x5c: {  	_ =	shalt  }
0x5d: {  	_ =	shalt  }
0x5e: {  	_ =	shalt  }
0x5f: {  	_ =	shalt  }
0x60: {  	_ =	shalt  }
0x61: {  	_ =	shalt  }
0x62: {  	_ =	shalt  }
0x63: {  	_ =	shalt  }
0x64: {  	_ =	shalt  }
0x65: {  	_ =	shalt  }
0x66: {  	_ =	shalt  }
0x67: {  	_ =	shalt  }
0x68: {  	_ =	shalt  }
0x69: {  	_ =	shalt  }
0x6a: {  	_ =	shalt  }
0x6b: {  	_ =	shalt  }
0x6c: {  	_ =	shalt  }
0x6d: {  	_ =	shalt  }
0x6e: {  	_ =	shalt  }
0x6f: {  	_ =	shalt  }
0x70: {  	_ =	shalt  }
0x71: {  	_ =	shalt  }
0x72: {  	_ =	shalt  }
0x73: {  	_ =	shalt  }
0x74: {  	_ =	shalt  }
0x75: {  	_ =	shalt  }
0x76: {  	_ =	shalt  }
0x77: {  	_ =	shalt  }
0x78: {  	_ =	shalt  }
0x79: {  	_ =	shalt  }
0x7a: {  	_ =	shalt  }
0x7b: {  	_ =	shalt  }
0x7c: {  	_ =	shalt  }
0x7d: {  	_ =	shalt  }
0x7e: {  	_ =	shalt  }
0x7f: {  	_ =	shalt  }
0x80: {  	_ =	shalt  }
0x81: {  	_ =	shalt  }
0x82: {  	_ =	shalt  }
0x83: {  	_ =	shalt  }
0x84: {  	_ =	shalt  }
0x85: {  	_ =	shalt  }
0x86: {  	_ =	shalt  }
0x87: {  	_ =	shalt  }
.Lfunc_end0:
.L_simem_size_0:
called_computation.2_lowered:
.L_overlay_start_0:
0x88: {  	s2 =	sld [smem:$0x3FD9]  }
0x89: {  	s3 =	sld [smem:$0x3FFE];
	_ =	sdelay $0x1  }
0x8a: {  	s1 =	srdreg.scid  }
0x8b: {  	s0 =	sand.u32 $0x1, s1  }
0x8c: {  	s17 =	sshll.u32 s0, $0xA;
	s2 =	sadd.s32 s3, s2  }
0x8d: {  	s2 =	sadd.s32 s2, s17  }
0x8e: {  	[smem:$0x3FC2] =	sst s2  }
0x8f: {  	_ = 	snop  }
0x90: {  	s2 =	sld [smem:$0x3FD0];
	(tm) =	ssettm $0x1  }
0x91: {  	s18 =	sld [smem:$0x3FFB];
	_ =	sdelay $0x3  }
0x92: {  	_ =	strace s18  }
0x93: {  	s3 =	sld [smem:$0x3FFC];
	_ =	sdelay $0x3  }
0x94: {  	_ =	strace s3  }
0x95: {  	s3 =	sld [smem:$0x3FFD];
	_ =	sdelay $0x3  }
0x96: {  	_ =	strace s3  }
0x97: {  	_ =	strace $0x8FFFFFFF  }
0x98: {  	s19 =	sld [smem:$0x3FDB];
	_ =	sdelay $0x1  }
0x99: {  	s4 =	simm.s32 $_scs_section_size  }
0x9a: {  	s5 =	simm.s32 $_size__tile_overlayer_lowered;
	s6 =	simm.s32 $_tile_overlayer_lowered  }
0x9b: {  	s22 =	simm.s32 $0x1BFF;
	s21 =	sshll.u32 s6, $0x1;
	s3 =	sadd.s32 s4, s19  }
0x9c: {  	s7 =	simm.s32 $0x0;
	s20 =	sshll.u32 s5, $0x1;
	s5 =	sadd.s32 s21, s3  }
0x9d: {  	[timem:s7], [sflag:s22] =	dma.local [hbm:s5], s20  }
0x9e: {  	_ =	swait.ge [sflag:s22], s20  }
0x9f: {  	s4 =	ssub.s32 $0x0, s20;
	[sflag:s22] =	ssyncset.done $0x0  }
0xa0: {  	[sflag:s22] =	ssyncadd.s32 s4;
	_ =	sdelay $0x1  }
0xa1: {  	s23 =	simm.s32 $0x1B8B  }
0xa2: {  	_ =	swait.ge [sflag:s23], $0x1  }
0xa3: {  	[sflag:s23] =	ssyncset.done $0x0  }
0xa4: {  	s25 =	simm.s32 $0x1B8E;
	s24 =	sld [smem:$0x3FFE];
	[sflag:s23] =	ssyncadd.s32 $0xFFFFFFFF  }
0xa5: {  	s26 =	simm.s32 $execute0_lowered;
	[smem:$0x3FD2] =	sst s25  }
0xa6: {  	s5 =	sshll.u32 s26, $0x1;
	_ =	strace $0x8000004C;
	[dreg:$0x1] =	wrdreg $0xFFFFFFFF  }
0xa7: {  	s28 =	simm.s32 $_size_execute0_lowered;
	s3 =	sadd.s32 s3, s5;
	[dreg:$0x0] =	wrdreg $0x0  }
0xa8: {  	s5 =	sshll.u32 s28, $0x1;
	[dreg:$0x2] =	wrdreg s3  }
0xa9: {  	[dreg:$0x3] =	wrdreg s5  }
0xaa: {  	[dreg:$0x4] =	wrdreg $0xC0  }
0xab: {  	_ =	task [dreg:s7], $0x5FFFF  }
0xac: {  	[dreg:$0x1] =	wrdreg $0xFFFFFFFF  }
0xad: {  	[dreg:$0x0] =	wrdreg $0x60  }
0xae: {  	[dreg:$0x2] =	wrdreg s24  }
0xaf: {  	[dreg:$0x3] =	wrdreg s2  }
0xb0: {  	[dreg:$0x4] =	wrdreg $0x48000  }
0xb1: {  	[dreg:$0x5] =	wrdreg $0x9  }
0xb2: {  	_ =	task.clear_ibuf [dreg:s7], $0x6FFFF;
	_ =	strace $0x9000004C  }
0xb3: {  	s29 =	simm.s32 $0x9;
	_ =	strace $0x8000004E  }
0xb4: {  	_ =	swait.ge [sflag:s29], $0x1  }
0xb5: {  	[sflag:s29] =	ssyncadd.s32 $0xFFFFFFFF  }
0xb6: {  	_ =	strace $0x9000004E  }
0xb7: {  	_ =	sfence  }
0xb8: {  	s30 =	sld [smem:$0x0];
	_ =	sdelay $0x2  }
0xb9: {  	s31 =	sshll.u32 s1, $0xD;
	s1 =	sshrl.u32 s1, $0x2  }
0xba: {  	s3 =	sand.u32 $0x4000, s31;
	s1 =	sadd.s32 s1, s30  }
0xbb: {  	s0 =	sor.u32 s3, s0;
	s1 =	sshll.u32 s1, $0x11  }
0xbc: {  	s0 =	sor.u32 s1, s0  }
0xbd: {  	s0 =	sadd.s32 $0x8F2B, s0  }
0xbe: {  	[sflag:s0] =	ssyncadd.remote.s32 $0x1  }
0xbf: {  	_ =	sfence.sel $0xFFFF  }
0xc0: {  	[dreg:$0x0] =	wrdreg $0xFFFFFFFF;
	(pc) =	sbr.abs _section_cstart, $3  }
0xc1: {  	[dreg:$0x1] =	wrdreg $0xFFFFFFFF  }
0xc2: {  	_ =	task.clear_ibuf [dreg:s7], $0x2FFFF;
	_ =	strace $0x9FFFFFFF  }
0xc3: {  	(tm) =	ssettm $0x7FFFFFFF  }
tec
execute0_lowered:
.L_overlay_start_1:
0x0: {  	(tag) =	ssettag $0x1  }
0x1: {  	s5 =	rddreg [dreg:$0x0]  }
0x2: {  	s12 =	rddreg [dreg:$0x1]  }
0x3: {  	s2 =	rddreg [dreg:$0x2]  }
0x4: {  	s0 =	rddreg [dreg:$0x3]  }
0x5: {  	s4 =	srdreg.scid;
	s1 =	stileid.u32  }
0x6: {  	s3 =	simm.s32 $0x0;
	s17 =	simm.s32 $0x3;
	s18 =	simm.s32 $0x1400  }
0x7: {  	s19 =	simm.s32 $0x80;
	s20 =	simm.s32 $0x3800;
	s21 =	simm.s32 $0x1  }
0x8: {  	s22 =	simm.s32 $0x2;
	s23 =	simm.s32 $0x1380;
	s24 =	simm.s32 $0x2700  }
0x9: {  	s6 =	sand.u32 $0x1, s4;
	s7 =	smul.u32 $0xA000, s1;
	[smem:$0x7FF] =	sst s3  }
0xa: {  	s4 =	sadd.s32 $0xBA00, s5;
	s13 =	sadd.s32 $0x1A00, s5;
	s10 =	smul.u32 $0x14000, s1  }
0xb: {  	s26 =	sshll.u32 s1, $0x1;
	s8 =	smul.u32 $0xA0000, s6;
	s9 =	ssub.s32 $0x2, s6  }
0xc: {  	_ =	strace $0x8000004D;
	s25 =	sshrl.u32 s9, $0x1;
	s28 =	sshrl.u32 s10, $0x2  }
0xd: {  	s29 =	sshrl.u32 s7, $0x1;
	s8 =	sadd.s32 s7, s8;
	s15 =	ssub.s32 s9, s25  }
0xe: {  	s30 =	sadd.s32 s28, s2;
	s25 =	simm.s32 $0x2780;
	s8 =	sshrl.u32 s8, $0x4  }
0xf: {  	s7 =	sadd.s32 $0x2000, s30;
	s14 =	sadd.s32 s8, s5;
	s8 =	sor.u32 s6, s26  }
0x10: {  	s9 =	sadd.s32 $0x4000, s30;
	s15 =	smax.u32 s15, $0x1;
	s31 =	smul.u32 $0x2800, s8  }
0x11: {  	s5 =	sadd.s32 s29, s2;
	s6 =	sadd.s32 $0x1000, s30;
	s11 =	smul.u32 $0x500, s8  }
0x12: {  	s8 =	sadd.s32 $0x3000, s30;
	s14 =	sadd.s32 $0x65A00, s14;
	s16 =	sshrl.u32 s31, $0x3  }
0x13: {  	s10 =	sadd.s32 s12, s11;
	s11 =	sadd.s32 s13, s11;
	s16 =	sadd.s32 $0x280, s16  }
0x14: {  	v0 =	vimm.bf16 $0.0e+00;
	s12 =	sadd.s32 s12, s16;
	s13 =	sadd.s32 s13, s16;
	s16 =	simm.s32 $0x2800  }
.LBB2_1:
0x15: {  	s26 =	simm.s32 $0x80;
	s28 =	simm.s32 $0x0  }
.LBB2_2:
0x16: {  	p0 =	sne.s32 s26, $0x3F80;
	[tilespmem:s28+$0x2800] =	vst v0;
	s29 =	smov.u32 s26;
	s26 =	sadd.s32 $0x80, s26  }
.Ltmp0:
0x17: {  	[tilespmem:s28+$0x2810] =	vst v0;
	(pc) =	sbr.rel @p0 .LBB2_2-.Ltmp0, $2  }
0x18: {  	_ =	sdelay $0x2  }
0x19: {  	s28 =	sshra.s32 s29, $0x2  }
0x1a: {  	[tilespmem:s28+$0x2800] =	vst v0  }
0x1b: {  	[tilespmem:s28+$0x2810] =	vst v0  }
0x1c: {  	[spmem:s5] =	stream.linear.scatter [tilespmem:s16], [sflag:$0x3], $0x1000, $0x38;
	[tilespmem:$0x9800] =	vst v63  }
0x1d: {  	_ =	swait.ge [sflag:s17], $0x1000  }
0x1e: {  	[sflag:s17] =	ssyncset.done $0x0  }
0x1f: {  	[sflag:s17] =	ssyncadd.s32 $0xFFFFF000  }
0x20: {  	[spmem:s6] =	stream.linear.scatter [tilespmem:s16], [sflag:$0x3], $0x1000, $0x38;
	[tilespmem:$0x9800] =	vst v63  }
0x21: {  	_ =	swait.ge [sflag:s17], $0x1000  }
0x22: {  	[sflag:s17] =	ssyncset.done $0x0  }
0x23: {  	[sflag:s17] =	ssyncadd.s32 $0xFFFFF000  }
0x24: {  	[spmem:s7] =	stream.linear.scatter [tilespmem:s16], [sflag:$0x3], $0x1000, $0x38;
	[tilespmem:$0x9800] =	vst v63  }
0x25: {  	_ =	swait.ge [sflag:s17], $0x1000  }
0x26: {  	[sflag:s17] =	ssyncset.done $0x0  }
0x27: {  	[sflag:s17] =	ssyncadd.s32 $0xFFFFF000  }
0x28: {  	[spmem:s8] =	stream.linear.scatter [tilespmem:s16], [sflag:$0x3], $0x1000, $0x38;
	[tilespmem:$0x9800] =	vst v63  }
0x29: {  	_ =	swait.ge [sflag:s17], $0x1000  }
0x2a: {  	[sflag:s17] =	ssyncset.done $0x0  }
0x2b: {  	[sflag:s17] =	ssyncadd.s32 $0xFFFFF000  }
0x2c: {  	[spmem:s9] =	stream.linear.scatter [tilespmem:s16], [sflag:$0x3], $0x1000, $0x38;
	[tilespmem:$0x9800] =	vst v63  }
0x2d: {  	_ =	swait.ge [sflag:s17], $0x1000  }
0x2e: {  	[sflag:s17] =	ssyncset.done $0x0  }
0x2f: {  	[sflag:s17] =	ssyncadd.s32 $0xFFFFF000  }
0x30: {  	s26 =	simm.s32 $0x0;
	[bflag:$0x0] =	sbarrier.arrive $0xFFFF  }
0x31: {  	[tilespmem:s26], [sflag:$0x3] =	stream.linear.gather [hbm4b:s10+s26], $0x1400, $0x38;
	[tilespmem:$0x9800] =	vst v63  }
0x32: {  	_ =	swait.ge [sflag:s17], $0x1400  }
0x33: {  	[sflag:s17] =	ssyncset.done $0x0  }
0x34: {  	[sflag:s17] =	ssyncadd.s32 $0xFFFFEC00  }
0x35: {  	[tilespmem:s18], [sflag:$0x3] =	stream.linear.gather [hbm4b:s11+s26], $0x1400, $0x38;
	[tilespmem:$0x9800] =	vst v63  }
0x36: {  	_ =	swait.ge [sflag:s17], $0x1400  }
0x37: {  	[sflag:s17] =	ssyncset.done $0x0  }
0x38: {  	[sflag:s17] =	ssyncadd.s32 $0xFFFFEC00  }
0x39: {  	[tilespmem:s16], [sflag:$0x1] =	stream.indirect.gather [hbm4b:s4+s19], $0x20, s26, s19, $0xb8;
	[tilespmem:$0x9800] =	vst v63  }
0x3a: {  	s31 =	simm.s32 $0x80  }
0x3b: {  	[tilespmem:s20], [sflag:$0x2] =	stream.indirect.gather [hbm4b:s4+s19], $0x20, s31, s19, $0xb8;
	[tilespmem:$0x9800] =	vst v63  }
0x3c: {  	_ =	swait.ge [sflag:s21], $0x1000  }
0x3d: {  	[sflag:s21] =	ssyncset.done $0x0  }
0x3e: {  	s29 =	simm.s32 $0x1400;
	[sflag:s21] =	ssyncadd.s32 $0xFFFFF000  }
0x3f: {  	[spmem:s2] =	stream.indirect.scatter.add.bf16 [tilespmem:s16], [sflag:$0x3], $0x20, s29, s19, $0xb8;
	[tilespmem:$0x9800] =	vst v63  }
0x40: {  	_ =	swait.ge [sflag:s17], $0x1000  }
0x41: {  	[sflag:s17] =	ssyncset.done $0x0  }
0x42: {  	s30 =	simm.s32 $0x100;
	[sflag:s17] =	ssyncadd.s32 $0xFFFFF000  }
0x43: {  	[tilespmem:s16], [sflag:$0x1] =	stream.indirect.gather [hbm4b:s4+s19], $0x20, s30, s19, $0xb8;
	[tilespmem:$0x9800] =	vst v63  }
0x44: {  	_ =	swait.ge [sflag:s22], $0x1000  }
0x45: {  	[sflag:s22] =	ssyncset.done $0x0  }
0x46: {  	s31 =	simm.s32 $0x1480;
	[sflag:s22] =	ssyncadd.s32 $0xFFFFF000  }
0x47: {  	[spmem:s2] =	stream.indirect.scatter.add.bf16 [tilespmem:s20], [sflag:$0x3], $0x20, s31, s19, $0xb8;
	[tilespmem:$0x9800] =	vst v63  }
0x48: {  	_ =	swait.ge [sflag:s17], $0x1000  }
0x49: {  	s28 =	simm.s32 $0x800;
	s26 =	simm.s32 $0x100;
	[sflag:s17] =	ssyncset.done $0x0  }
.LBB2_4:
0x4a: {  	s29 =	sadd.s32 $0x80, s26  }
0x4b: {  	[sflag:s17] =	ssyncadd.s32 $0xFFFFF000;
	s30 =	smov.u32 s28;
	s31 =	sadd.s32 $0x400, s28  }
0x4c: {  	[tilespmem:s20], [sflag:$0x2] =	stream.indirect.gather [hbm4b:s4+s19], $0x20, s29, s19, $0xb8;
	[tilespmem:$0x9800] =	vst v63  }
0x4d: {  	p0 =	sne.s32 s28, $0x4800;
	_ =	swait.ge [sflag:s21], $0x1000  }
0x4e: {  	[sflag:s21] =	ssyncset.done $0x0  }
0x4f: {  	s28 =	sadd.s32 $0x1400, s26;
	[sflag:s21] =	ssyncadd.s32 $0xFFFFF000  }
0x50: {  	[spmem:s2] =	stream.indirect.scatter.add.bf16 [tilespmem:s16], [sflag:$0x3], $0x20, s28, s19, $0xb8;
	[tilespmem:$0x9800] =	vst v63  }
0x51: {  	_ =	swait.ge [sflag:s17], $0x1000  }
0x52: {  	[sflag:s17] =	ssyncset.done $0x0  }
0x53: {  	s28 =	sadd.s32 $0x100, s26;
	[sflag:s17] =	ssyncadd.s32 $0xFFFFF000  }
0x54: {  	[tilespmem:s16], [sflag:$0x1] =	stream.indirect.gather [hbm4b:s4+s19], $0x20, s28, s19, $0xb8;
	[tilespmem:$0x9800] =	vst v63  }
0x55: {  	_ =	swait.ge [sflag:s22], $0x1000  }
.Ltmp1:
0x56: {  	[sflag:s22] =	ssyncset.done $0x0;
	(pc) =	sbr.rel @p0 .LBB2_4-.Ltmp1, $4  }
0x57: {  	s26 =	sadd.s32 $0x1480, s26;
	[sflag:s22] =	ssyncadd.s32 $0xFFFFF000  }
0x58: {  	[spmem:s2] =	stream.indirect.scatter.add.bf16 [tilespmem:s20], [sflag:$0x3], $0x20, s26, s19, $0xb8;
	[tilespmem:$0x9800] =	vst v63  }
0x59: {  	_ =	swait.ge [sflag:s17], $0x1000  }
0x5a: {  	s28 =	smov.u32 s31;
	s26 =	sshra.s32 s30, $0x2;
	[sflag:s17] =	ssyncset.done $0x0  }
0x5b: {  	s28 =	sadd.s32 $0x80, s26;
	[sflag:s17] =	ssyncadd.s32 $0xFFFFF000  }
0x5c: {  	[tilespmem:s20], [sflag:$0x2] =	stream.indirect.gather [hbm4b:s4+s19], $0x20, s28, s19, $0xb8;
	[tilespmem:$0x9800] =	vst v63  }
0x5d: {  	_ =	swait.ge [sflag:s21], $0x1000  }
0x5e: {  	[sflag:s21] =	ssyncset.done $0x0  }
0x5f: {  	s28 =	sadd.s32 $0x1400, s26;
	[sflag:s21] =	ssyncadd.s32 $0xFFFFF000  }
0x60: {  	[spmem:s2] =	stream.indirect.scatter.add.bf16 [tilespmem:s16], [sflag:$0x3], $0x20, s28, s19, $0xb8;
	[tilespmem:$0x9800] =	vst v63  }
0x61: {  	_ =	swait.ge [sflag:s17], $0x1000  }
0x62: {  	[sflag:s17] =	ssyncset.done $0x0  }
0x63: {  	s28 =	sadd.s32 $0x100, s26;
	[sflag:s17] =	ssyncadd.s32 $0xFFFFF000  }
0x64: {  	[tilespmem:s16], [sflag:$0x1] =	stream.indirect.gather [hbm4b:s4+s19], $0x20, s28, s19, $0xb8;
	[tilespmem:$0x9800] =	vst v63  }
0x65: {  	_ =	swait.ge [sflag:s22], $0x1000  }
0x66: {  	[sflag:s22] =	ssyncset.done $0x0  }
0x67: {  	s29 =	sadd.s32 $0x1480, s26;
	[sflag:s22] =	ssyncadd.s32 $0xFFFFF000  }
0x68: {  	[spmem:s2] =	stream.indirect.scatter.add.bf16 [tilespmem:s20], [sflag:$0x3], $0x20, s29, s19, $0xb8;
	[tilespmem:$0x9800] =	vst v63  }
0x69: {  	_ =	swait.ge [sflag:s17], $0x1000  }
0x6a: {  	[sflag:s17] =	ssyncset.done $0x0  }
0x6b: {  	[sflag:s17] =	ssyncadd.s32 $0xFFFFF000  }
0x6c: {  	[tilespmem:s20], [sflag:$0x2] =	stream.indirect.gather [hbm4b:s4+s19], $0x20, s23, s19, $0xb8;
	[tilespmem:$0x9800] =	vst v63  }
0x6d: {  	_ =	swait.ge [sflag:s21], $0x1000  }
0x6e: {  	[sflag:s21] =	ssyncset.done $0x0  }
0x6f: {  	[sflag:s21] =	ssyncadd.s32 $0xFFFFF000  }
0x70: {  	[spmem:s2] =	stream.indirect.scatter.add.bf16 [tilespmem:s16], [sflag:$0x3], $0x20, s24, s19, $0xb8;
	[tilespmem:$0x9800] =	vst v63  }
0x71: {  	_ =	swait.ge [sflag:s17], $0x1000  }
0x72: {  	[sflag:s17] =	ssyncset.done $0x0  }
0x73: {  	[sflag:s17] =	ssyncadd.s32 $0xFFFFF000  }
0x74: {  	_ =	swait.ge [sflag:s22], $0x1000  }
0x75: {  	[sflag:s22] =	ssyncset.done $0x0  }
0x76: {  	[sflag:s22] =	ssyncadd.s32 $0xFFFFF000  }
0x77: {  	[spmem:s2] =	stream.indirect.scatter.add.bf16 [tilespmem:s20], [sflag:$0x3], $0x20, s25, s19, $0xb8;
	[tilespmem:$0x9800] =	vst v63  }
0x78: {  	_ =	swait.ge [sflag:s17], $0x1000  }
0x79: {  	[sflag:s17] =	ssyncset.done $0x0  }
0x7a: {  	s30 =	simm.s32 $0x0;
	[sflag:s17] =	ssyncadd.s32 $0xFFFFF000  }
0x7b: {  	[tilespmem:s30], [sflag:$0x3] =	stream.linear.gather [hbm4b:s12+s30], $0x1400, $0x38;
	[tilespmem:$0x9800] =	vst v63  }
0x7c: {  	_ =	swait.ge [sflag:s17], $0x1400  }
0x7d: {  	[sflag:s17] =	ssyncset.done $0x0  }
0x7e: {  	[sflag:s17] =	ssyncadd.s32 $0xFFFFEC00  }
0x7f: {  	[tilespmem:s18], [sflag:$0x3] =	stream.linear.gather [hbm4b:s13+s30], $0x1400, $0x38;
	[tilespmem:$0x9800] =	vst v63  }
0x80: {  	_ =	swait.ge [sflag:s17], $0x1400  }
0x81: {  	[sflag:s17] =	ssyncset.done $0x0  }
0x82: {  	[sflag:s17] =	ssyncadd.s32 $0xFFFFEC00  }
0x83: {  	[tilespmem:s16], [sflag:$0x1] =	stream.indirect.gather [hbm4b:s4+s19], $0x20, s30, s19, $0xb8;
	[tilespmem:$0x9800] =	vst v63  }
0x84: {  	s31 =	simm.s32 $0x80  }
0x85: {  	[tilespmem:s20], [sflag:$0x2] =	stream.indirect.gather [hbm4b:s4+s19], $0x20, s31, s19, $0xb8;
	[tilespmem:$0x9800] =	vst v63  }
0x86: {  	_ =	swait.ge [sflag:s21], $0x1000  }
0x87: {  	[sflag:s21] =	ssyncset.done $0x0  }
0x88: {  	s29 =	simm.s32 $0x1400;
	[sflag:s21] =	ssyncadd.s32 $0xFFFFF000  }
0x89: {  	[spmem:s2] =	stream.indirect.scatter.add.bf16 [tilespmem:s16], [sflag:$0x3], $0x20, s29, s19, $0xb8;
	[tilespmem:$0x9800] =	vst v63  }
0x8a: {  	_ =	swait.ge [sflag:s17], $0x1000  }
0x8b: {  	[sflag:s17] =	ssyncset.done $0x0  }
0x8c: {  	s30 =	simm.s32 $0x100;
	[sflag:s17] =	ssyncadd.s32 $0xFFFFF000  }
0x8d: {  	[tilespmem:s16], [sflag:$0x1] =	stream.indirect.gather [hbm4b:s4+s19], $0x20, s30, s19, $0xb8;
	[tilespmem:$0x9800] =	vst v63  }
0x8e: {  	_ =	swait.ge [sflag:s22], $0x1000  }
0x8f: {  	[sflag:s22] =	ssyncset.done $0x0  }
0x90: {  	s31 =	simm.s32 $0x1480;
	[sflag:s22] =	ssyncadd.s32 $0xFFFFF000  }
0x91: {  	[spmem:s2] =	stream.indirect.scatter.add.bf16 [tilespmem:s20], [sflag:$0x3], $0x20, s31, s19, $0xb8;
	[tilespmem:$0x9800] =	vst v63  }
0x92: {  	_ =	swait.ge [sflag:s17], $0x1000  }
0x93: {  	s26 =	simm.s32 $0x100;
	s28 =	simm.s32 $0x800;
	[sflag:s17] =	ssyncset.done $0x0  }
.LBB2_6:
0x94: {  	s29 =	sadd.s32 $0x80, s26  }
0x95: {  	[sflag:s17] =	ssyncadd.s32 $0xFFFFF000;
	s30 =	smov.u32 s28;
	s31 =	sadd.s32 $0x400, s28  }
0x96: {  	[tilespmem:s20], [sflag:$0x2] =	stream.indirect.gather [hbm4b:s4+s19], $0x20, s29, s19, $0xb8;
	[tilespmem:$0x9800] =	vst v63  }
0x97: {  	p0 =	sne.s32 s28, $0x4800;
	_ =	swait.ge [sflag:s21], $0x1000  }
0x98: {  	[sflag:s21] =	ssyncset.done $0x0  }
0x99: {  	s28 =	sadd.s32 $0x1400, s26;
	[sflag:s21] =	ssyncadd.s32 $0xFFFFF000  }
0x9a: {  	[spmem:s2] =	stream.indirect.scatter.add.bf16 [tilespmem:s16], [sflag:$0x3], $0x20, s28, s19, $0xb8;
	[tilespmem:$0x9800] =	vst v63  }
0x9b: {  	_ =	swait.ge [sflag:s17], $0x1000  }
0x9c: {  	[sflag:s17] =	ssyncset.done $0x0  }
0x9d: {  	s28 =	sadd.s32 $0x100, s26;
	[sflag:s17] =	ssyncadd.s32 $0xFFFFF000  }
0x9e: {  	[tilespmem:s16], [sflag:$0x1] =	stream.indirect.gather [hbm4b:s4+s19], $0x20, s28, s19, $0xb8;
	[tilespmem:$0x9800] =	vst v63  }
0x9f: {  	_ =	swait.ge [sflag:s22], $0x1000  }
.Ltmp2:
0xa0: {  	[sflag:s22] =	ssyncset.done $0x0;
	(pc) =	sbr.rel @p0 .LBB2_6-.Ltmp2, $4  }
0xa1: {  	s26 =	sadd.s32 $0x1480, s26;
	[sflag:s22] =	ssyncadd.s32 $0xFFFFF000  }
0xa2: {  	[spmem:s2] =	stream.indirect.scatter.add.bf16 [tilespmem:s20], [sflag:$0x3], $0x20, s26, s19, $0xb8;
	[tilespmem:$0x9800] =	vst v63  }
0xa3: {  	_ =	swait.ge [sflag:s17], $0x1000  }
0xa4: {  	s28 =	smov.u32 s31;
	s26 =	sshra.s32 s30, $0x2;
	[sflag:s17] =	ssyncset.done $0x0  }
0xa5: {  	s28 =	sadd.s32 $0x80, s26;
	[sflag:s17] =	ssyncadd.s32 $0xFFFFF000  }
0xa6: {  	[tilespmem:s20], [sflag:$0x2] =	stream.indirect.gather [hbm4b:s4+s19], $0x20, s28, s19, $0xb8;
	[tilespmem:$0x9800] =	vst v63  }
0xa7: {  	_ =	swait.ge [sflag:s21], $0x1000  }
0xa8: {  	[sflag:s21] =	ssyncset.done $0x0  }
0xa9: {  	s30 =	sadd.s32 $0x1400, s26;
	[sflag:s21] =	ssyncadd.s32 $0xFFFFF000  }
0xaa: {  	[spmem:s2] =	stream.indirect.scatter.add.bf16 [tilespmem:s16], [sflag:$0x3], $0x20, s30, s19, $0xb8;
	[tilespmem:$0x9800] =	vst v63  }
0xab: {  	_ =	swait.ge [sflag:s17], $0x1000  }
0xac: {  	[sflag:s17] =	ssyncset.done $0x0  }
0xad: {  	s31 =	sadd.s32 $0x100, s26;
	[sflag:s17] =	ssyncadd.s32 $0xFFFFF000  }
0xae: {  	[tilespmem:s16], [sflag:$0x1] =	stream.indirect.gather [hbm4b:s4+s19], $0x20, s31, s19, $0xb8;
	[tilespmem:$0x9800] =	vst v63  }
0xaf: {  	_ =	swait.ge [sflag:s22], $0x1000  }
0xb0: {  	[sflag:s22] =	ssyncset.done $0x0  }
0xb1: {  	s29 =	sadd.s32 $0x1480, s26;
	[sflag:s22] =	ssyncadd.s32 $0xFFFFF000  }
0xb2: {  	[spmem:s2] =	stream.indirect.scatter.add.bf16 [tilespmem:s20], [sflag:$0x3], $0x20, s29, s19, $0xb8;
	[tilespmem:$0x9800] =	vst v63  }
0xb3: {  	_ =	swait.ge [sflag:s17], $0x1000  }
0xb4: {  	[sflag:s17] =	ssyncset.done $0x0  }
0xb5: {  	[sflag:s17] =	ssyncadd.s32 $0xFFFFF000  }
0xb6: {  	[tilespmem:s20], [sflag:$0x2] =	stream.indirect.gather [hbm4b:s4+s19], $0x20, s23, s19, $0xb8;
	[tilespmem:$0x9800] =	vst v63  }
0xb7: {  	_ =	swait.ge [sflag:s21], $0x1000  }
0xb8: {  	[sflag:s21] =	ssyncset.done $0x0  }
0xb9: {  	[sflag:s21] =	ssyncadd.s32 $0xFFFFF000  }
0xba: {  	[spmem:s2] =	stream.indirect.scatter.add.bf16 [tilespmem:s16], [sflag:$0x3], $0x20, s24, s19, $0xb8;
	[tilespmem:$0x9800] =	vst v63  }
0xbb: {  	_ =	swait.ge [sflag:s17], $0x1000  }
0xbc: {  	[sflag:s17] =	ssyncset.done $0x0  }
0xbd: {  	[sflag:s17] =	ssyncadd.s32 $0xFFFFF000  }
0xbe: {  	_ =	swait.ge [sflag:s22], $0x1000  }
0xbf: {  	[sflag:s22] =	ssyncset.done $0x0  }
0xc0: {  	[sflag:s22] =	ssyncadd.s32 $0xFFFFF000  }
0xc1: {  	[spmem:s2] =	stream.indirect.scatter.add.bf16 [tilespmem:s20], [sflag:$0x3], $0x20, s25, s19, $0xb8;
	[tilespmem:$0x9800] =	vst v63  }
0xc2: {  	_ =	swait.ge [sflag:s17], $0x1000  }
0xc3: {  	s3 =	sadd.s32 $0x1, s3;
	s30 =	sshll.u32 s1, $0x6;
	[sflag:s17] =	ssyncset.done $0x0  }
0xc4: {  	p0 =	sne.s32 s3, s15;
	s26 =	sor.u32 $0x1C03, s30;
	[sflag:s17] =	ssyncadd.s32 $0xFFFFF000  }
.Ltmp3:
0xc5: {  	s31 =	sshrl.u32 s5, $0x3;
	[bflag:$0x0] =	sbarrier.arrive $0xFFFF;
	(pc) =	sbr.rel @p0 .LBB2_1-.Ltmp3, $4  }
0xc6: {  	[hbm:s14], [sflag:s26] =	dma.local [spmem:s31], $0xA00  }
0xc7: {  	_ =	swait.ge [sflag:s17], $0xA00  }
0xc8: {  	[sflag:s17] =	ssyncset.done $0x0  }
0xc9: {  	[sflag:s17] =	ssyncadd.s32 $0xFFFFF600  }
0xca: {  	_ =	sfence.sel $0x180000  }
0xcb: {  	[bflag:$0x0] =	sbarrier.arrive $0xFFFF  }
0xcc: {  	p0 =	sne.s32 s1, $0x0;
	_ =	strace $0x9000004D  }
0xcd: {  	s0 =	sadd.s32 @!p0 $0x100000, s0;
	[bflag:$0x2] =	sbarrier.arrive $0xFFFF  }
0xce: {  	[sflag:s0] =	ssyncadd.tile.s32 @!p0 $0x1;
	_ =	shalt  }
.Lfunc_end2:
_tile_overlayer_lowered:
.L_overlay_start_2:
0xcf: {  	(tag) =	ssettag $0x2  }
0xd0: {  	s0 =	rddreg [dreg:$0x0];
	s2 =	stileid.u32  }
0xd1: {  	s1 =	rddreg [dreg:$0x1];
	p0 =	sne.s32 s2, $0x0  }
0xd2: {  	s3 =	rddreg [dreg:$0x2];
	[bflag:$0x3] =	sbarrier.arrive $0xFFFF;
	s2 =	simm.s32 @!p0 $0x1C03  }
0xd3: {  	[timem:s3], [sflag:s2] =	dma.local @!p0 [hbm:s0], s1  }
0xd4: {  	s0 =	simm.s32 @!p0 $0x3  }
0xd5: {  	_ =	swait.ge @!p0 [sflag:s0], s1  }
0xd6: {  	s1 =	ssub.s32 @!p0 $0x0, s1;
	[sflag:s0] =	ssyncset.done @!p0 $0x0  }
0xd7: {  	[sflag:s0] =	ssyncadd.s32 @!p0 s1  }
0xd8: {  	[bflag:$0x3] =	sbarrier.arrive $0xFFFF  }
0xd9: {  	_ =	shalt  }

// kernel: kernel.9.cloned.1.call-start
scs
__scs_entry_jumppad:
0x0: {  	(pc) =	sbr.rel $0x88, $3  }
0x1: {  	(tag) =	ssettag $0x0;
	lr =	simm.s32 $0x1  }
0x2: {  	[smem:$0x3F9B] =	sst lr;
	_ =	strace $0xD0000000  }
0x3: {  	_ = 	snop  }
0x4: {  	_ = 	snop  }
0x5: {  	_ = 	snop  }
0x6: {  	_ = 	snop  }
0x7: {  	_ = 	snop  }
__scs_overlays_trampoline_lowered:
0x8: {  	[smem:$0x3FAA] =	sst s0  }
0x9: {  	[smem:$0x3FAB] =	sst s1  }
0xa: {  	[smem:$0x3FAC] =	sst s2  }
0xb: {  	[smem:$0x3FAD] =	sst s3  }
0xc: {  	[smem:$0x3FAE] =	sst s4  }
0xd: {  	[smem:$0x3FAF] =	sst s5  }
0xe: {  	[smem:$0x3FB0] =	sst s6  }
0xf: {  	[smem:$0x3FB1] =	sst s7  }
0x10: {  	[smem:$0x3FB2] =	sst s8  }
0x11: {  	[smem:$0x3FB3] =	sst s9;
	s0 =	simm.s32 @!p0 $0x0  }
0x12: {  	s1 =	sld [smem:$0x3F99];
	s0 =	simm.s32 @p0 $0x1  }
0x13: {  	[smem:$0x3FB4] =	sst s0;
	s0 =	simm.s32 @!p1 $0x0  }
0x14: {  	s2 =	sld [smem:$0x3F98];
	s0 =	simm.s32 @p1 $0x1  }
0x15: {  	[smem:$0x3FB5] =	sst s0;
	s0 =	simm.s32 @!p2 $0x0  }
0x16: {  	s3 =	sld [smem:$0x3FDB];
	s0 =	simm.s32 @p2 $0x1  }
0x17: {  	s4 =	simm.s32 $0x1BF5;
	[smem:$0x3FB7] =	sst s0  }
0x18: {  	s0 =	sld [smem:$0x3F9A];
	_ =	swait.ge [sflag:s4], $0x0  }
0x19: {  	s7 =	sld [smem:$0x3F9B]  }
0x1a: {  	s8 =	sadd.s32 $0xFFFFE003, lr  }
0x1b: {  	s9 =	sadd.s32 $0xFFFFFEF7, lr;
	s5 =	simm.s32 $0xFFFFFFFF;
	p2 =	slt.u32 s8, $0xFFFFF086  }
0x1c: {  	p1 =	slt.u32 s9, $0xF7A;
	s5 =	simm.s32 @!p2 $0x0  }
0x1d: {  	s5 =	simm.s32 @p1 $0x1;
	p0 =	seq.s32 s7, s2  }
0x1e: {  	s7 =	smul.u32 @!p0 $0xF7A, s2;
	p2 =	seq.s32 @!p0 s5, $0x0  }
0x1f: {  	s9 =	smul.u32 $0xF7A, s1;
	s8 =	simm.s32 @!p0 $0x1BF5;
	p2 =	por !p2, p0  }
0x20: {  	[sflag:s8] =	ssyncset.s32 @!p0 $0xFFFFF086;
	s6 =	sadd.s32 @!p0 s3, s7;
	s7 =	simm.s32 @!p0 $0x108  }
0x21: {  	s3 =	sadd.s32 s3, s9;
	s6 =	sadd.s32 @!p0 $0x88, s6;
	s7 =	simm.s32 @p2 $0x1082  }
0x22: {  	[simem:s7], [sflag:s8] =	dma.local @!p0 [hbm:s6], $0xF7A  }
0x23: {  	s9 =	sor.u32 $0xD0000000, s2;
	s6 =	simm.s32 $0x108;
	_ =	swait.ge @!p0 [sflag:s8], $0x0  }
0x24: {  	s3 =	sadd.s32 $0x88, s3;
	s6 =	simm.s32 @!p1 $0x1082;
	[sflag:s4] =	ssyncset.s32 $0xFFFFF086  }
0x25: {  	[simem:s6], [sflag:s4] =	dma.local [hbm:s3], $0xF7A  }
0x26: {  	[smem:$0x3F9B] =	sst s1;
	(tag) =	ssettag s2;
	_ =	strace s9  }
0x27: {  	s1 =	sld [smem:$0x3FAB]  }
0x28: {  	s2 =	sld [smem:$0x3FAC]  }
0x29: {  	s4 =	sld [smem:$0x3FAE]  }
0x2a: {  	p0 =	seq.s32 s5, $0x0;
	s5 =	sld [smem:$0x3FAF]  }
0x2b: {  	s6 =	sld [smem:$0x3FB0]  }
0x2c: {  	s7 =	sld [smem:$0x3FB1]  }
0x2d: {  	s3 =	simm.s32 $0x108;
	s8 =	sld [smem:$0x3FB2]  }
0x2e: {  	s3 =	simm.s32 @!p0 $0x1082;
	s9 =	sld [smem:$0x3FB3]  }
0x2f: {  	lr =	sadd.s32 s0, s3;
	s0 =	sld [smem:$0x3FAA]  }
0x30: {  	s3 =	sld [smem:$0x3FAD]  }
0x31: {  	[smem:$0x3FB6] =	sst s10  }
0x32: {  	s10 =	sld [smem:$0x3FB4];
	_ =	sdelay $0x3  }
0x33: {  	p0 =	seq.s32 s10, $0x1;
	s10 =	sld [smem:$0x3FB6];
	_ =	sdelay $0x3  }
0x34: {  	[smem:$0x3FB6] =	sst s10  }
0x35: {  	s10 =	sld [smem:$0x3FB5];
	_ =	sdelay $0x3  }
0x36: {  	p1 =	seq.s32 s10, $0x1;
	s10 =	sld [smem:$0x3FB6];
	_ =	sdelay $0x3  }
0x37: {  	[smem:$0x3FB6] =	sst s10  }
0x38: {  	s10 =	sld [smem:$0x3FB7]  }
0x39: {  	_ = 	snop;
	(pc) =	sbr.ind lr, $3  }
0x3a: {  	_ = 	snop  }
0x3b: {  	_ = 	snop  }
0x3c: {  	p2 =	seq.s32 s10, $0x1;
	s10 =	sld [smem:$0x3FB6]  }
0x3d: {  	_ =	shalt  }
0x3e: {  	_ =	shalt  }
0x3f: {  	_ =	shalt  }
0x40: {  	_ =	shalt  }
0x41: {  	_ =	shalt  }
0x42: {  	_ =	shalt  }
0x43: {  	_ =	shalt  }
0x44: {  	_ =	shalt  }
0x45: {  	_ =	shalt  }
0x46: {  	_ =	shalt  }
0x47: {  	_ =	shalt  }
0x48: {  	_ =	shalt  }
0x49: {  	_ =	shalt  }
0x4a: {  	_ =	shalt  }
0x4b: {  	_ =	shalt  }
0x4c: {  	_ =	shalt  }
0x4d: {  	_ =	shalt  }
0x4e: {  	_ =	shalt  }
0x4f: {  	_ =	shalt  }
0x50: {  	_ =	shalt  }
0x51: {  	_ =	shalt  }
0x52: {  	_ =	shalt  }
0x53: {  	_ =	shalt  }
0x54: {  	_ =	shalt  }
0x55: {  	_ =	shalt  }
0x56: {  	_ =	shalt  }
0x57: {  	_ =	shalt  }
0x58: {  	_ =	shalt  }
0x59: {  	_ =	shalt  }
0x5a: {  	_ =	shalt  }
0x5b: {  	_ =	shalt  }
0x5c: {  	_ =	shalt  }
0x5d: {  	_ =	shalt  }
0x5e: {  	_ =	shalt  }
0x5f: {  	_ =	shalt  }
0x60: {  	_ =	shalt  }
0x61: {  	_ =	shalt  }
0x62: {  	_ =	shalt  }
0x63: {  	_ =	shalt  }
0x64: {  	_ =	shalt  }
0x65: {  	_ =	shalt  }
0x66: {  	_ =	shalt  }
0x67: {  	_ =	shalt  }
0x68: {  	_ =	shalt  }
0x69: {  	_ =	shalt  }
0x6a: {  	_ =	shalt  }
0x6b: {  	_ =	shalt  }
0x6c: {  	_ =	shalt  }
0x6d: {  	_ =	shalt  }
0x6e: {  	_ =	shalt  }
0x6f: {  	_ =	shalt  }
0x70: {  	_ =	shalt  }
0x71: {  	_ =	shalt  }
0x72: {  	_ =	shalt  }
0x73: {  	_ =	shalt  }
0x74: {  	_ =	shalt  }
0x75: {  	_ =	shalt  }
0x76: {  	_ =	shalt  }
0x77: {  	_ =	shalt  }
0x78: {  	_ =	shalt  }
0x79: {  	_ =	shalt  }
0x7a: {  	_ =	shalt  }
0x7b: {  	_ =	shalt  }
0x7c: {  	_ =	shalt  }
0x7d: {  	_ =	shalt  }
0x7e: {  	_ =	shalt  }
0x7f: {  	_ =	shalt  }
0x80: {  	_ =	shalt  }
0x81: {  	_ =	shalt  }
0x82: {  	_ =	shalt  }
0x83: {  	_ =	shalt  }
0x84: {  	_ =	shalt  }
0x85: {  	_ =	shalt  }
0x86: {  	_ =	shalt  }
0x87: {  	_ =	shalt  }
.Lfunc_end0:
.L_simem_size_0:
called_computation_lowered:
.L_overlay_start_0:
0x88: {  	s2 =	sld [smem:$0x3FD9]  }
0x89: {  	s3 =	sld [smem:$0x3FFE];
	_ =	sdelay $0x1  }
0x8a: {  	s1 =	srdreg.scid  }
0x8b: {  	s0 =	sand.u32 $0x1, s1  }
0x8c: {  	s16 =	sshll.u32 s0, $0xA;
	s2 =	sadd.s32 s3, s2  }
0x8d: {  	s2 =	sadd.s32 s2, s16  }
0x8e: {  	[smem:$0x3FC2] =	sst s2  }
0x8f: {  	_ = 	snop  }
0x90: {  	(tm) =	ssettm $0x1  }
0x91: {  	s17 =	sld [smem:$0x3FFB];
	_ =	sdelay $0x3  }
0x92: {  	_ =	strace s17  }
0x93: {  	s2 =	sld [smem:$0x3FFC];
	_ =	sdelay $0x3  }
0x94: {  	_ =	strace s2  }
0x95: {  	s2 =	sld [smem:$0x3FFD];
	_ =	sdelay $0x3  }
0x96: {  	_ =	strace s2  }
0x97: {  	_ =	strace $0x8FFFFFFF  }
0x98: {  	s18 =	sld [smem:$0x3FDB];
	_ =	sdelay $0x1  }
0x99: {  	s19 =	simm.s32 $_scs_section_size  }
0x9a: {  	s4 =	simm.s32 $_size__tile_overlayer_lowered;
	s5 =	simm.s32 $_tile_overlayer_lowered  }
0x9b: {  	s22 =	simm.s32 $0x1BFF;
	s21 =	sshll.u32 s5, $0x1;
	s2 =	sadd.s32 s19, s18  }
0x9c: {  	s6 =	simm.s32 $0x0;
	s20 =	sshll.u32 s4, $0x1;
	s4 =	sadd.s32 s21, s2  }
0x9d: {  	[timem:s6], [sflag:s22] =	dma.local [hbm:s4], s20  }
0x9e: {  	_ =	swait.ge [sflag:s22], s20  }
0x9f: {  	s3 =	ssub.s32 $0x0, s20;
	[sflag:s22] =	ssyncset.done $0x0  }
0xa0: {  	[sflag:s22] =	ssyncadd.s32 s3;
	_ =	sdelay $0x1  }
0xa1: {  	s23 =	simm.s32 $0x1B8B  }
0xa2: {  	_ =	swait.ge [sflag:s23], $0x1  }
0xa3: {  	[sflag:s23] =	ssyncset.done $0x0  }
0xa4: {  	s25 =	simm.s32 $0x1B8E;
	s24 =	sld [smem:$0x3FFE];
	[sflag:s23] =	ssyncadd.s32 $0xFFFFFFFF  }
0xa5: {  	s26 =	simm.s32 $execute0_lowered;
	[smem:$0x3FD2] =	sst s25  }
0xa6: {  	s4 =	sshll.u32 s26, $0x1;
	_ =	strace $0x80000046;
	[dreg:$0x1] =	wrdreg $0xFFFFFFFF  }
0xa7: {  	s28 =	simm.s32 $_size_execute0_lowered;
	s2 =	sadd.s32 s2, s4;
	[dreg:$0x0] =	wrdreg $0x0  }
0xa8: {  	s4 =	sshll.u32 s28, $0x1;
	[dreg:$0x2] =	wrdreg s2  }
0xa9: {  	[dreg:$0x3] =	wrdreg s4  }
0xaa: {  	[dreg:$0x4] =	wrdreg $0xC0  }
0xab: {  	_ =	task [dreg:s6], $0x5FFFF  }
0xac: {  	[dreg:$0x1] =	wrdreg $0xFFFFFFFF  }
0xad: {  	[dreg:$0x0] =	wrdreg $0x60  }
0xae: {  	[dreg:$0x2] =	wrdreg s24  }
0xaf: {  	[dreg:$0x3] =	wrdreg $0x30000  }
0xb0: {  	[dreg:$0x4] =	wrdreg $0x9  }
0xb1: {  	_ =	task.clear_ibuf [dreg:s6], $0x5FFFF;
	_ =	strace $0x90000046  }
0xb2: {  	s29 =	simm.s32 $0x9;
	_ =	strace $0x80000048  }
0xb3: {  	_ =	swait.ge [sflag:s29], $0x1  }
0xb4: {  	[sflag:s29] =	ssyncadd.s32 $0xFFFFFFFF  }
0xb5: {  	_ =	strace $0x90000048  }
0xb6: {  	_ =	sfence  }
0xb7: {  	s30 =	sld [smem:$0x0];
	_ =	sdelay $0x2  }
0xb8: {  	s31 =	sshll.u32 s1, $0xD;
	s1 =	sshrl.u32 s1, $0x2  }
0xb9: {  	s3 =	sand.u32 $0x4000, s31;
	s1 =	sadd.s32 s1, s30  }
0xba: {  	s0 =	sor.u32 s3, s0;
	s1 =	sshll.u32 s1, $0x11  }
0xbb: {  	s0 =	sor.u32 s1, s0  }
0xbc: {  	s0 =	sadd.s32 $0x8F2B, s0  }
0xbd: {  	[sflag:s0] =	ssyncadd.remote.s32 $0x1  }
0xbe: {  	_ =	sfence.sel $0xFFFF  }
0xbf: {  	[dreg:$0x0] =	wrdreg $0xFFFFFFFF;
	(pc) =	sbr.abs _section_cstart, $3  }
0xc0: {  	[dreg:$0x1] =	wrdreg $0xFFFFFFFF  }
0xc1: {  	_ =	task.clear_ibuf [dreg:s6], $0x2FFFF;
	_ =	strace $0x9FFFFFFF  }
0xc2: {  	(tm) =	ssettm $0x7FFFFFFF  }
0xc3: {  	_ =	shalt  }
tec
execute0_lowered:
.L_overlay_start_1:
0x0: {  	(tag) =	ssettag $0x1  }
0x1: {  	s1 =	srdreg.scid;
	s5 =	rddreg [dreg:$0x0]  }
0x2: {  	s0 =	stileid.u32;
	s2 =	rddreg [dreg:$0x1];
	s3 =	simm.s32 $0x0  }
0x3: {  	s13 =	simm.s32 $0x1;
	s14 =	simm.s32 $0x80;
	s4 =	sand.u32 $0x1, s1  }
0x4: {  	s28 =	sshll.u32 s0, $0x1;
	s7 =	smul.u32 $0x2800, s0;
	[smem:$0x7FF] =	sst s3  }
0x5: {  	s9 =	smul.u32 $0xA000, s0;
	s15 =	sshll.u32 s0, $0x6;
	s1 =	sor.u32 s4, s28  }
0x6: {  	s8 =	smul.u32 $0x28000, s4;
	s4 =	ssub.s32 $0x2, s4;
	s15 =	sor.u32 $0x1C01, s15  }
0x7: {  	s6 =	smul.u32 $0x500, s1;
	s1 =	rddreg [dreg:$0x2];
	_ =	strace $0x80000047  }
0x8: {  	s30 =	sshrl.u32 s9, $0x2;
	s31 =	sshrl.u32 s4, $0x1;
	s29 =	sadd.s32 s7, s8  }
0x9: {  	s8 =	sadd.s32 s30, s2;
	s12 =	ssub.s32 s4, s31;
	s4 =	sadd.s32 s7, s2  }
0xa: {  	s10 =	sadd.s32 s6, s5;
	s6 =	sshrl.u32 s29, $0x3;
	s7 =	sadd.s32 $0x1800, s8  }
0xb: {  	s16 =	sshrl.u32 s4, $0x3;
	s11 =	sadd.s32 s6, s5;
	s5 =	sadd.s32 $0x800, s8  }
0xc: {  	s6 =	sadd.s32 $0x1000, s8;
	s8 =	sadd.s32 $0x2000, s8;
	s9 =	sadd.s32 $0x1A00, s10  }
0xd: {  	v0 =	vimm.f32 $0.0e+00;
	v1 =	vimm.f32 $1.000000000e+00;
	s10 =	sadd.s32 $0xBA00, s11;
	s11 =	smax.u32 s12, $0x1;
	s12 =	simm.s32 $0x2800  }
.LBB2_1:
0xe: {  	s17 =	simm.s32 $0x40;
	s18 =	simm.s32 $0x0  }
.LBB2_2:
0xf: {  	p0 =	sne.s32 s17, $0x1FC0;
	[tilespmem:s18+$0x2800] =	vst v0;
	s18 =	smov.u32 s17;
	s17 =	sadd.s32 $0x40, s17  }
.Ltmp0:
0x10: {  	(pc) =	sbr.rel @p0 .LBB2_2-.Ltmp0, $2  }
0x11: {  	_ =	sdelay $0x2  }
0x12: {  	s18 =	sshra.s32 s18, $0x2  }
0x13: {  	[tilespmem:s18+$0x2800] =	vst v0  }
0x14: {  	[spmem:s4] =	stream.linear.scatter [tilespmem:s12], [sflag:$0x1], $0x800, $0x38;
	[tilespmem:$0x5800] =	vst v63  }
0x15: {  	_ =	swait.ge [sflag:s13], $0x800  }
0x16: {  	[sflag:s13] =	ssyncset.done $0x0  }
0x17: {  	[sflag:s13] =	ssyncadd.s32 $0xFFFFF800  }
0x18: {  	[spmem:s5] =	stream.linear.scatter [tilespmem:s12], [sflag:$0x1], $0x800, $0x38;
	[tilespmem:$0x5800] =	vst v63  }
0x19: {  	_ =	swait.ge [sflag:s13], $0x800  }
0x1a: {  	[sflag:s13] =	ssyncset.done $0x0  }
0x1b: {  	[sflag:s13] =	ssyncadd.s32 $0xFFFFF800  }
0x1c: {  	[spmem:s6] =	stream.linear.scatter [tilespmem:s12], [sflag:$0x1], $0x800, $0x38;
	[tilespmem:$0x5800] =	vst v63  }
0x1d: {  	_ =	swait.ge [sflag:s13], $0x800  }
0x1e: {  	[sflag:s13] =	ssyncset.done $0x0  }
0x1f: {  	[sflag:s13] =	ssyncadd.s32 $0xFFFFF800  }
0x20: {  	[spmem:s7] =	stream.linear.scatter [tilespmem:s12], [sflag:$0x1], $0x800, $0x38;
	[tilespmem:$0x5800] =	vst v63  }
0x21: {  	_ =	swait.ge [sflag:s13], $0x800  }
0x22: {  	[sflag:s13] =	ssyncset.done $0x0  }
0x23: {  	[sflag:s13] =	ssyncadd.s32 $0xFFFFF800  }
0x24: {  	[spmem:s8] =	stream.linear.scatter [tilespmem:s12], [sflag:$0x1], $0x800, $0x38;
	[tilespmem:$0x5800] =	vst v63  }
0x25: {  	_ =	swait.ge [sflag:s13], $0x800  }
0x26: {  	[sflag:s13] =	ssyncset.done $0x0  }
0x27: {  	s17 =	simm.s32 $0x40;
	s18 =	simm.s32 $0x0;
	[sflag:s13] =	ssyncadd.s32 $0xFFFFF800  }
.LBB2_4:
0x28: {  	p0 =	sne.s32 s17, $0x1FC0;
	[tilespmem:s18+$0x2800] =	vst v1;
	s18 =	smov.u32 s17;
	s17 =	sadd.s32 $0x40, s17  }
.Ltmp1:
0x29: {  	(pc) =	sbr.rel @p0 .LBB2_4-.Ltmp1, $2  }
0x2a: {  	_ =	sdelay $0x2  }
0x2b: {  	s18 =	sshra.s32 s18, $0x2  }
0x2c: {  	[tilespmem:s18+$0x2800] =	vst v1;
	s17 =	simm.s32 $0x0  }
0x2d: {  	[tilespmem:s17], [sflag:$0x1] =	stream.linear.gather [hbm4b:s9+s17], $0x2800, $0x38;
	[tilespmem:$0x5800] =	vst v63  }
0x2e: {  	_ =	swait.ge [sflag:s13], $0x2800  }
0x2f: {  	[sflag:s13] =	ssyncset.done $0x0  }
0x30: {  	[sflag:s13] =	ssyncadd.s32 $0xFFFFD800  }
0x31: {  	s31 =	simm.s32 $0x0;
	[bflag:$0x0] =	sbarrier.arrive $0xFFFF  }
0x32: {  	[spmem:s2] =	stream.indirect.scatter.add.f32 [tilespmem:s12], [sflag:$0x1], $0x10, s31, s14, $0xb8;
	[tilespmem:$0x5800] =	vst v63  }
0x33: {  	_ =	swait.ge [sflag:s13], $0x800  }
0x34: {  	s17 =	simm.s32 $0x200;
	[sflag:s13] =	ssyncset.done $0x0  }
.LBB2_6:
0x35: {  	s18 =	sshra.s32 s17, $0x2;
	[sflag:s13] =	ssyncadd.s32 $0xFFFFF800;
	p0 =	sne.s32 s17, $0x9E00  }
0x36: {  	[spmem:s2] =	stream.indirect.scatter.add.f32 [tilespmem:s12], [sflag:$0x1], $0x10, s18, s14, $0xb8;
	[tilespmem:$0x5800] =	vst v63  }
.Ltmp2:
0x37: {  	_ = 	snop;
	(pc) =	sbr.rel @p0 .LBB2_6-.Ltmp2, $4  }
0x38: {  	_ = 	snop  }
0x39: {  	s17 =	sadd.s32 $0x200, s17  }
0x3a: {  	_ =	swait.ge [sflag:s13], $0x800  }
0x3b: {  	[sflag:s13] =	ssyncset.done $0x0  }
0x3c: {  	s3 =	sadd.s32 $0x1, s3  }
0x3d: {  	[sflag:s13] =	ssyncadd.s32 $0xFFFFF800;
	p0 =	sne.s32 s3, s11  }
.Ltmp3:
0x3e: {  	[bflag:$0x0] =	sbarrier.arrive $0xFFFF;
	(pc) =	sbr.rel @p0 .LBB2_1-.Ltmp3, $4  }
0x3f: {  	[hbm:s10], [sflag:s15] =	dma.local [spmem:s16], $0x500  }
0x40: {  	_ =	swait.ge [sflag:s13], $0x500  }
0x41: {  	[sflag:s13] =	ssyncset.done $0x0  }
0x42: {  	[sflag:s13] =	ssyncadd.s32 $0xFFFFFB00  }
0x43: {  	_ =	sfence.sel $0x180000  }
0x44: {  	[bflag:$0x0] =	sbarrier.arrive $0xFFFF  }
0x45: {  	p0 =	sne.s32 s0, $0x0;
	_ =	strace $0x90000047  }
0x46: {  	s0 =	sadd.s32 @!p0 $0x100000, s1;
	[bflag:$0x2] =	sbarrier.arrive $0xFFFF  }
0x47: {  	[sflag:s0] =	ssyncadd.tile.s32 @!p0 $0x1;
	_ =	shalt  }
.Lfunc_end2:
_tile_overlayer_lowered:
.L_overlay_start_2:
0x48: {  	(tag) =	ssettag $0x2  }
0x49: {  	s0 =	rddreg [dreg:$0x0];
	s2 =	stileid.u32  }
0x4a: {  	s1 =	rddreg [dreg:$0x1];
	p0 =	sne.s32 s2, $0x0  }
0x4b: {  	s3 =	rddreg [dreg:$0x2];
	[bflag:$0x3] =	sbarrier.arrive $0xFFFF;
	s2 =	simm.s32 @!p0 $0x1C01  }
0x4c: {  	[timem:s3], [sflag:s2] =	dma.local @!p0 [hbm:s0], s1  }
0x4d: {  	s0 =	simm.s32 @!p0 $0x1  }
0x4e: {  	_ =	swait.ge @!p0 [sflag:s0], s1  }
0x4f: {  	s1 =	ssub.s32 @!p0 $0x0, s1;
	[sflag:s0] =	ssyncset.done @!p0 $0x0  }
0x50: {  	[sflag:s0] =	ssyncadd.s32 @!p0 s1  }
0x51: {  	[bflag:$0x3] =	sbarrier.arrive $0xFFFF  }
0x52: {  	_ =	shalt  }

</sc_bundles>
